<compile_context>
chip_gen: v7x
topology: tpu7x:2x2x1
jax: 0.10.2.dev20260603
libtpu: 0.0.44.dev20260713+nightly
codegen_flags: <defaults>
</compile_context>

<pallas_src>
import functools
import jax
import jax.numpy as jnp
from jax import lax
from jax.experimental import pallas as pl
from jax.experimental.pallas import tpu as pltpu
from jax.experimental.pallas import tpu_sc as plsc

N = 10000
E = 320000
D = 128

NC = 2
NS = 16
DH = D // NC
CH = 128
NCHT = E // CH // NS
NXTRA = E // CH - NCHT * NS
EPT = (NCHT + 1) * CH
NBUF = 6
NP = 10240
RPT = NP // NS

_sc_mesh = plsc.VectorSubcoreMesh(core_axis_name="c", subcore_axis_name="s")


@functools.partial(
    pl.kernel,
    mesh=_sc_mesh,
    compiler_params=pltpu.CompilerParams(use_tc_tiling_on_sc=False),
    out_type=jax.ShapeDtypeStruct((NP, D), jnp.float32),
    scratch_types=[
        pltpu.VMEM((EPT,), jnp.int32),
        pltpu.VMEM((EPT,), jnp.int32),
        [pltpu.VMEM((CH, DH), jnp.float32)] * NBUF,
        pltpu.VMEM_SHARED((NP, DH), jnp.float32),
        [pltpu.SemaphoreType.DMA] * NBUF,
        [pltpu.SemaphoreType.DMA] * NBUF,
    ],
)
def _sc_aggregate(xl_hbm, srce_hbm, srco_hbm, dst_hbm, zeros_hbm, out_hbm,
                  src_v, dst_v, bufs, agg_sh, gsems, ssems):
    cid = lax.axis_index("c")
    sid = lax.axis_index("s")

    pltpu.sync_copy(zeros_hbm, agg_sh.at[pl.ds(sid * RPT, RPT)])

    base = sid * (NCHT * CH)
    main = NCHT * CH

    @pl.when(cid == 0)
    def _():
        pltpu.sync_copy(srce_hbm.at[pl.ds(base, main)],
                        src_v.at[pl.ds(0, main)])

    @pl.when(cid == 1)
    def _():
        pltpu.sync_copy(srco_hbm.at[pl.ds(base, main)],
                        src_v.at[pl.ds(0, main)])

    pltpu.sync_copy(dst_hbm.at[pl.ds(base, main)], dst_v.at[pl.ds(0, main)])

    xbase = NS * (NCHT * CH) + sid * CH

    @pl.when(jnp.logical_and(sid < NXTRA, cid == 0))
    def _():
        pltpu.sync_copy(srce_hbm.at[pl.ds(xbase, CH)],
                        src_v.at[pl.ds(main, CH)])

    @pl.when(jnp.logical_and(sid < NXTRA, cid == 1))
    def _():
        pltpu.sync_copy(srco_hbm.at[pl.ds(xbase, CH)],
                        src_v.at[pl.ds(main, CH)])

    @pl.when(sid < NXTRA)
    def _():
        pltpu.sync_copy(dst_hbm.at[pl.ds(xbase, CH)],
                        dst_v.at[pl.ds(main, CH)])

    plsc.subcore_barrier()

    def gather(j, b):
        pltpu.async_copy(xl_hbm.at[src_v.at[pl.ds(j * CH, CH)]],
                         bufs[b], gsems[b])

    def gwait(b):
        pltpu.make_async_copy(xl_hbm.at[src_v.at[pl.ds(0, CH)]], bufs[b],
                              gsems[b]).wait()

    def scatter(j, b):
        pltpu.async_copy(bufs[b], agg_sh.at[dst_v.at[pl.ds(j * CH, CH)]],
                         ssems[b], add=True)

    def swait(b):
        pltpu.make_async_copy(bufs[b], agg_sh.at[dst_v.at[pl.ds(0, CH)]],
                              ssems[b]).wait()

    for b in range(NBUF):
        gather(b, b)

    def body(r, carry):
        j = r * NBUF
        for b in range(NBUF):
            gwait(b)
            scatter(j + b, b)
        for b in range(NBUF):
            swait(b)
            gather(j + NBUF + b, b)
        return carry

    lax.fori_loop(0, NCHT // NBUF - 1, body, 0)

    j_last = NCHT - NBUF
    for b in range(NBUF):
        gwait(b)
        scatter(j_last + b, b)
    for b in range(NBUF):
        swait(b)

    @pl.when(sid < NXTRA)
    def _():
        gather(NCHT, 0)
        gwait(0)
        scatter(NCHT, 0)
        swait(0)

    plsc.subcore_barrier()

    pltpu.sync_copy(agg_sh.at[pl.ds(sid * RPT, RPT)],
                    out_hbm.at[pl.ds(sid * RPT, RPT), pl.ds(cid * DH, DH)])


def _tc_body(x_ref, agg_ref, w_ref, b_ref, eps_ref, gamma_ref,
             beta_ref, out_ref):
    x = x_ref[...]
    u = (1.0 + eps_ref[0]) * x + agg_ref[:N, :]
    h = lax.dot_general(u, w_ref[...], (((1,), (1,)), ((), ())),
                        preferred_element_type=jnp.float32)
    h = h + b_ref[...]
    mean = jnp.mean(h, axis=0, keepdims=True)
    var = jnp.mean((h - mean) ** 2, axis=0, keepdims=True)
    h = (h - mean) * lax.rsqrt(var + 1e-5) * gamma_ref[...] + beta_ref[...]
    out_ref[...] = jnp.maximum(h, 0.0) + x


_tc_finish = pl.pallas_call(
    _tc_body,
    out_shape=jax.ShapeDtypeStruct((N, D), jnp.float32),
    in_specs=[
        pl.BlockSpec(memory_space=pltpu.VMEM),
        pl.BlockSpec(memory_space=pltpu.VMEM),
        pl.BlockSpec(memory_space=pltpu.VMEM),
        pl.BlockSpec(memory_space=pltpu.VMEM),
        pl.BlockSpec(memory_space=pltpu.SMEM),
        pl.BlockSpec(memory_space=pltpu.VMEM),
        pl.BlockSpec(memory_space=pltpu.VMEM),
    ],
    out_specs=pl.BlockSpec(memory_space=pltpu.VMEM),
)


@jax.jit
def kernel(x, edge_index, W, b, eps, gamma, beta):
    xl = x.reshape(NC * N, DH)
    src = edge_index[0]
    dst = edge_index[1]
    src_even = src * 2
    src_odd = src_even + 1
    zeros = jnp.zeros((RPT, DH), jnp.float32)
    agg = _sc_aggregate(xl, src_even, src_odd, dst, zeros)
    return _tc_finish(x, agg, W, b, eps.reshape(1), gamma, beta)

# --- scband reference (transcript-rebuilt; emitter-appended) ---
"""Pipeline reference for scband-ginblock-22754736734325 (READ-ONLY COPY).

The authoritative reference and input builder live on the scoring server;
editing this copy changes nothing except your own understanding.
"""

import jax, jax.numpy as jnp
import numpy as np

N = 10000
E = 320000
D = 128


def setup_inputs(seed: int = 0) -> dict:
    key = jax.random.key(seed)
    k1, k2, k3 = jax.random.split(key, 3)
    x = jax.random.normal(k1, (N, D), dtype=jnp.float32)
    edge_index = jax.random.randint(k2, (2, E), 0, N, dtype=jnp.int32)
    # GINConv message MLP: mlp([out_dim, out_dim]) => single Linear(D, D)
    W = jax.random.normal(k3, (D, D), dtype=jnp.float32) * (1.0 / np.sqrt(D))
    b = jnp.zeros((D,), dtype=jnp.float32)
    # learnable eps (train_eps=True), initialized to 0.0
    eps = jnp.zeros((), dtype=jnp.float32)
    # block-level BatchNorm1d(out_dim) affine params
    gamma = jnp.ones((D,), dtype=jnp.float32)
    beta = jnp.zeros((D,), dtype=jnp.float32)
    return {"x": x, "edge_index": edge_index, "W": W, "b": b, "eps": eps, "gamma": gamma, "beta": beta}


def reference(x, edge_index, W, b, eps, gamma, beta):
    # GINConv: out = nn_message((1 + eps) * x + sum_{j in N(i)} x_j)
    src = edge_index[0]
    dst = edge_index[1]
    msg = jnp.take(x, src, axis=0)               # gather: [E, D]
    agg = jax.ops.segment_sum(msg, dst, num_segments=x.shape[0])  # scatter-add: [N, D]
    h = (1.0 + eps) * x + agg
    # nn_message: Linear(D, D)
    h = h @ W.T + b
    # block BatchNorm1d (training-mode batch statistics, biased variance)
    mean = jnp.mean(h, axis=0)
    var = jnp.mean((h - mean) ** 2, axis=0)
    h = (h - mean) / jnp.sqrt(var + 1e-5) * gamma + beta
    # ReLU activation
    h = jnp.maximum(h, 0.0)
    # dropout p=0 -> identity; residual (in_dim == out_dim, pre is None)
    h = h + x
    return h

if __name__ == "__main__":
    import jax
    _d = setup_inputs()
    print(jax.jit(kernel)(*tuple(_d.values())))

</pallas_src>

<mosaic_0001>
#map = affine_map<(d0, d1) -> (0, 0)>
#map1 = affine_map<(d0, d1) -> (0)>
module attributes {stable_mosaic.version = 14 : i64} {
  func.func @_sc_aggregate(%arg0: i32, %arg1: i32, %arg2: memref<20000x64xf32, #tpu.memory_space<hbm>>, %arg3: memref<320000xi32, #tpu.memory_space<hbm>>, %arg4: memref<320000xi32, #tpu.memory_space<hbm>>, %arg5: memref<320000xi32, #tpu.memory_space<hbm>>, %arg6: memref<640x64xf32, #tpu.memory_space<hbm>>, %arg7: memref<10240x128xf32, #tpu.memory_space<hbm>>, %arg8: memref<20096xi32, #tpu.memory_space<vmem>>, %arg9: memref<20096xi32, #tpu.memory_space<vmem>>, %arg10: memref<128x64xf32, #tpu.memory_space<vmem>>, %arg11: memref<128x64xf32, #tpu.memory_space<vmem>>, %arg12: memref<128x64xf32, #tpu.memory_space<vmem>>, %arg13: memref<128x64xf32, #tpu.memory_space<vmem>>, %arg14: memref<128x64xf32, #tpu.memory_space<vmem>>, %arg15: memref<128x64xf32, #tpu.memory_space<vmem>>, %arg16: memref<10240x64xf32, #tpu.memory_space<vmem_shared>>, %arg17: memref<!tpu.dma_semaphore, #tpu.memory_space<semaphore_mem>>, %arg18: memref<!tpu.dma_semaphore, #tpu.memory_space<semaphore_mem>>, %arg19: memref<!tpu.dma_semaphore, #tpu.memory_space<semaphore_mem>>, %arg20: memref<!tpu.dma_semaphore, #tpu.memory_space<semaphore_mem>>, %arg21: memref<!tpu.dma_semaphore, #tpu.memory_space<semaphore_mem>>, %arg22: memref<!tpu.dma_semaphore, #tpu.memory_space<semaphore_mem>>, %arg23: memref<!tpu.dma_semaphore, #tpu.memory_space<semaphore_mem>>, %arg24: memref<!tpu.dma_semaphore, #tpu.memory_space<semaphore_mem>>, %arg25: memref<!tpu.dma_semaphore, #tpu.memory_space<semaphore_mem>>, %arg26: memref<!tpu.dma_semaphore, #tpu.memory_space<semaphore_mem>>, %arg27: memref<!tpu.dma_semaphore, #tpu.memory_space<semaphore_mem>>, %arg28: memref<!tpu.dma_semaphore, #tpu.memory_space<semaphore_mem>>) attributes {dimension_semantics = [#tpu.dimension_semantics<core_parallel>, #tpu.dimension_semantics<subcore_parallel>], iteration_bounds = array<i64: 2, 16>, scalar_prefetch = 0 : i64, scratch_operands = 21 : i64, tpu.core_type = #tpu.core_type<sc_vector_subcore>, window_params = [{transform_indices = #map}, {transform_indices = #map1}, {transform_indices = #map1}, {transform_indices = #map1}, {transform_indices = #map}, {transform_indices = #map}]} {
    %mul3A = arith.constant 640 : i32
    %mul3A_0 = arith.muli %arg1, %mul3A : i32
    "tpu.region"() ({
      %run_scoped3A = tpu.sem_alloc : memref<!tpu.dma_semaphore, #tpu.memory_space<semaphore_mem>>
      %dma_start3A_167 = arith.constant 0 : i32
      %dma_start3A_168 = tpu.memref_slice %arg16[%mul3A_0, %dma_start3A_167] : memref<10240x64xf32, #tpu.memory_space<vmem_shared>> -> memref<640x64xf32, #tpu.memory_space<vmem_shared>>
      tpu.enqueue_dma source(%arg6 : memref<640x64xf32, #tpu.memory_space<hbm>>) target(%dma_start3A_168 : memref<640x64xf32, #tpu.memory_space<vmem_shared>>) target_semaphore(%run_scoped3A : memref<!tpu.dma_semaphore, #tpu.memory_space<semaphore_mem>>)
      %dma_wait3A_169 = arith.constant 0 : i32
      %dma_wait3A_170 = tpu.memref_slice %arg16[%mul3A_0, %dma_wait3A_169] : memref<10240x64xf32, #tpu.memory_space<vmem_shared>> -> memref<640x64xf32, #tpu.memory_space<vmem_shared>>
      tpu.wait_dma2 semaphore(%run_scoped3A : memref<!tpu.dma_semaphore, #tpu.memory_space<semaphore_mem>>) src(%arg6 : memref<640x64xf32, #tpu.memory_space<hbm>>) dst(%dma_wait3A_170 : memref<640x64xf32, #tpu.memory_space<vmem_shared>>)
      tpu.yield
    }) : () -> ()
    %mul3A_1 = arith.constant 19968 : i32
    %mul3A_2 = arith.muli %arg1, %mul3A_1 : i32
    %eq3A = arith.constant 0 : i32
    %eq3A_3 = arith.cmpi eq, %arg0, %eq3A : i32
    %convert_element_type3A = arith.extui %eq3A_3 : i1 to i32
    %cond3A = arith.constant 0 : i32
    %cond3A_4 = arith.cmpi ne, %convert_element_type3A, %cond3A : i32
    scf.if %cond3A_4 {
      "tpu.region"() ({
        %run_scoped3A = tpu.sem_alloc : memref<!tpu.dma_semaphore, #tpu.memory_space<semaphore_mem>>
        %dma_start3A_167 = arith.constant 0 : i32
        %dma_start3A_168 = tpu.memref_slice %arg8[%dma_start3A_167] : memref<20096xi32, #tpu.memory_space<vmem>> -> memref<19968xi32, #tpu.memory_space<vmem>>
        %dma_start3A_169 = tpu.memref_slice %arg3[%mul3A_2] : memref<320000xi32, #tpu.memory_space<hbm>> -> memref<19968xi32, #tpu.memory_space<hbm>>
        %dma_start3A_170 = arith.constant 0 : i32
        %dma_start3A_171 = tpu.memref_slice %arg8[%dma_start3A_170] : memref<20096xi32, #tpu.memory_space<vmem>> -> memref<19968xi32, #tpu.memory_space<vmem>>
        %dma_start3A_172 = tpu.memref_slice %arg3[%mul3A_2] : memref<320000xi32, #tpu.memory_space<hbm>> -> memref<19968xi32, #tpu.memory_space<hbm>>
        tpu.enqueue_dma source(%dma_start3A_172 : memref<19968xi32, #tpu.memory_space<hbm>>) target(%dma_start3A_171 : memref<19968xi32, #tpu.memory_space<vmem>>) target_semaphore(%run_scoped3A : memref<!tpu.dma_semaphore, #tpu.memory_space<semaphore_mem>>)
        %dma_wait3A_173 = arith.constant 0 : i32
        %dma_wait3A_174 = tpu.memref_slice %arg8[%dma_wait3A_173] : memref<20096xi32, #tpu.memory_space<vmem>> -> memref<19968xi32, #tpu.memory_space<vmem>>
        %dma_wait3A_175 = tpu.memref_slice %arg3[%mul3A_2] : memref<320000xi32, #tpu.memory_space<hbm>> -> memref<19968xi32, #tpu.memory_space<hbm>>
        %dma_wait3A_176 = arith.constant 0 : i32
        %dma_wait3A_177 = tpu.memref_slice %arg8[%dma_wait3A_176] : memref<20096xi32, #tpu.memory_space<vmem>> -> memref<19968xi32, #tpu.memory_space<vmem>>
        %dma_wait3A_178 = tpu.memref_slice %arg3[%mul3A_2] : memref<320000xi32, #tpu.memory_space<hbm>> -> memref<19968xi32, #tpu.memory_space<hbm>>
        tpu.wait_dma2 semaphore(%run_scoped3A : memref<!tpu.dma_semaphore, #tpu.memory_space<semaphore_mem>>) src(%dma_wait3A_178 : memref<19968xi32, #tpu.memory_space<hbm>>) dst(%dma_wait3A_177 : memref<19968xi32, #tpu.memory_space<vmem>>)
        tpu.yield
      }) : () -> ()
    } else {
    }
    %eq3A_5 = arith.constant 1 : i32
    %eq3A_6 = arith.cmpi eq, %arg0, %eq3A_5 : i32
    %convert_element_type3A_7 = arith.extui %eq3A_6 : i1 to i32
    %cond3A_8 = arith.constant 0 : i32
    %cond3A_9 = arith.cmpi ne, %convert_element_type3A_7, %cond3A_8 : i32
    scf.if %cond3A_9 {
      "tpu.region"() ({
        %run_scoped3A = tpu.sem_alloc : memref<!tpu.dma_semaphore, #tpu.memory_space<semaphore_mem>>
        %dma_start3A_167 = arith.constant 0 : i32
        %dma_start3A_168 = tpu.memref_slice %arg8[%dma_start3A_167] : memref<20096xi32, #tpu.memory_space<vmem>> -> memref<19968xi32, #tpu.memory_space<vmem>>
        %dma_start3A_169 = tpu.memref_slice %arg4[%mul3A_2] : memref<320000xi32, #tpu.memory_space<hbm>> -> memref<19968xi32, #tpu.memory_space<hbm>>
        %dma_start3A_170 = arith.constant 0 : i32
        %dma_start3A_171 = tpu.memref_slice %arg8[%dma_start3A_170] : memref<20096xi32, #tpu.memory_space<vmem>> -> memref<19968xi32, #tpu.memory_space<vmem>>
        %dma_start3A_172 = tpu.memref_slice %arg4[%mul3A_2] : memref<320000xi32, #tpu.memory_space<hbm>> -> memref<19968xi32, #tpu.memory_space<hbm>>
        tpu.enqueue_dma source(%dma_start3A_172 : memref<19968xi32, #tpu.memory_space<hbm>>) target(%dma_start3A_171 : memref<19968xi32, #tpu.memory_space<vmem>>) target_semaphore(%run_scoped3A : memref<!tpu.dma_semaphore, #tpu.memory_space<semaphore_mem>>)
        %dma_wait3A_173 = arith.constant 0 : i32
        %dma_wait3A_174 = tpu.memref_slice %arg8[%dma_wait3A_173] : memref<20096xi32, #tpu.memory_space<vmem>> -> memref<19968xi32, #tpu.memory_space<vmem>>
        %dma_wait3A_175 = tpu.memref_slice %arg4[%mul3A_2] : memref<320000xi32, #tpu.memory_space<hbm>> -> memref<19968xi32, #tpu.memory_space<hbm>>
        %dma_wait3A_176 = arith.constant 0 : i32
        %dma_wait3A_177 = tpu.memref_slice %arg8[%dma_wait3A_176] : memref<20096xi32, #tpu.memory_space<vmem>> -> memref<19968xi32, #tpu.memory_space<vmem>>
        %dma_wait3A_178 = tpu.memref_slice %arg4[%mul3A_2] : memref<320000xi32, #tpu.memory_space<hbm>> -> memref<19968xi32, #tpu.memory_space<hbm>>
        tpu.wait_dma2 semaphore(%run_scoped3A : memref<!tpu.dma_semaphore, #tpu.memory_space<semaphore_mem>>) src(%dma_wait3A_178 : memref<19968xi32, #tpu.memory_space<hbm>>) dst(%dma_wait3A_177 : memref<19968xi32, #tpu.memory_space<vmem>>)
        tpu.yield
      }) : () -> ()
    } else {
    }
    "tpu.region"() ({
      %run_scoped3A = tpu.sem_alloc : memref<!tpu.dma_semaphore, #tpu.memory_space<semaphore_mem>>
      %dma_start3A_167 = arith.constant 0 : i32
      %dma_start3A_168 = tpu.memref_slice %arg9[%dma_start3A_167] : memref<20096xi32, #tpu.memory_space<vmem>> -> memref<19968xi32, #tpu.memory_space<vmem>>
      %dma_start3A_169 = tpu.memref_slice %arg5[%mul3A_2] : memref<320000xi32, #tpu.memory_space<hbm>> -> memref<19968xi32, #tpu.memory_space<hbm>>
      %dma_start3A_170 = arith.constant 0 : i32
      %dma_start3A_171 = tpu.memref_slice %arg9[%dma_start3A_170] : memref<20096xi32, #tpu.memory_space<vmem>> -> memref<19968xi32, #tpu.memory_space<vmem>>
      %dma_start3A_172 = tpu.memref_slice %arg5[%mul3A_2] : memref<320000xi32, #tpu.memory_space<hbm>> -> memref<19968xi32, #tpu.memory_space<hbm>>
      tpu.enqueue_dma source(%dma_start3A_172 : memref<19968xi32, #tpu.memory_space<hbm>>) target(%dma_start3A_171 : memref<19968xi32, #tpu.memory_space<vmem>>) target_semaphore(%run_scoped3A : memref<!tpu.dma_semaphore, #tpu.memory_space<semaphore_mem>>)
      %dma_wait3A_173 = arith.constant 0 : i32
      %dma_wait3A_174 = tpu.memref_slice %arg9[%dma_wait3A_173] : memref<20096xi32, #tpu.memory_space<vmem>> -> memref<19968xi32, #tpu.memory_space<vmem>>
      %dma_wait3A_175 = tpu.memref_slice %arg5[%mul3A_2] : memref<320000xi32, #tpu.memory_space<hbm>> -> memref<19968xi32, #tpu.memory_space<hbm>>
      %dma_wait3A_176 = arith.constant 0 : i32
      %dma_wait3A_177 = tpu.memref_slice %arg9[%dma_wait3A_176] : memref<20096xi32, #tpu.memory_space<vmem>> -> memref<19968xi32, #tpu.memory_space<vmem>>
      %dma_wait3A_178 = tpu.memref_slice %arg5[%mul3A_2] : memref<320000xi32, #tpu.memory_space<hbm>> -> memref<19968xi32, #tpu.memory_space<hbm>>
      tpu.wait_dma2 semaphore(%run_scoped3A : memref<!tpu.dma_semaphore, #tpu.memory_space<semaphore_mem>>) src(%dma_wait3A_178 : memref<19968xi32, #tpu.memory_space<hbm>>) dst(%dma_wait3A_177 : memref<19968xi32, #tpu.memory_space<vmem>>)
      tpu.yield
    }) : () -> ()
    %mul3A_10 = arith.constant 128 : i32
    %mul3A_11 = arith.muli %arg1, %mul3A_10 : i32
    %add3A = arith.constant 319488 : i32
    %add3A_12 = arith.addi %add3A, %mul3A_11 : i32
    %lt3A = arith.constant 4 : i32
    %lt3A_13 = arith.cmpi slt, %arg1, %lt3A : i32
    %eq3A_14 = arith.constant 0 : i32
    %eq3A_15 = arith.cmpi eq, %arg0, %eq3A_14 : i32
    %and3A = arith.andi %lt3A_13, %eq3A_15 : i1
    %convert_element_type3A_16 = arith.extui %and3A : i1 to i32
    %cond3A_17 = arith.constant 0 : i32
    %cond3A_18 = arith.cmpi ne, %convert_element_type3A_16, %cond3A_17 : i32
    scf.if %cond3A_18 {
      "tpu.region"() ({
        %run_scoped3A = tpu.sem_alloc : memref<!tpu.dma_semaphore, #tpu.memory_space<semaphore_mem>>
        %dma_start3A_167 = arith.constant 19968 : i32
        %dma_start3A_168 = tpu.memref_slice %arg8[%dma_start3A_167] : memref<20096xi32, #tpu.memory_space<vmem>> -> memref<128xi32, #tpu.memory_space<vmem>>
        %dma_start3A_169 = tpu.memref_slice %arg3[%add3A_12] : memref<320000xi32, #tpu.memory_space<hbm>> -> memref<128xi32, #tpu.memory_space<hbm>>
        %dma_start3A_170 = arith.constant 19968 : i32
        %dma_start3A_171 = tpu.memref_slice %arg8[%dma_start3A_170] : memref<20096xi32, #tpu.memory_space<vmem>> -> memref<128xi32, #tpu.memory_space<vmem>>
        %dma_start3A_172 = tpu.memref_slice %arg3[%add3A_12] : memref<320000xi32, #tpu.memory_space<hbm>> -> memref<128xi32, #tpu.memory_space<hbm>>
        tpu.enqueue_dma source(%dma_start3A_172 : memref<128xi32, #tpu.memory_space<hbm>>) target(%dma_start3A_171 : memref<128xi32, #tpu.memory_space<vmem>>) target_semaphore(%run_scoped3A : memref<!tpu.dma_semaphore, #tpu.memory_space<semaphore_mem>>)
        %dma_wait3A_173 = arith.constant 19968 : i32
        %dma_wait3A_174 = tpu.memref_slice %arg8[%dma_wait3A_173] : memref<20096xi32, #tpu.memory_space<vmem>> -> memref<128xi32, #tpu.memory_space<vmem>>
        %dma_wait3A_175 = tpu.memref_slice %arg3[%add3A_12] : memref<320000xi32, #tpu.memory_space<hbm>> -> memref<128xi32, #tpu.memory_space<hbm>>
        %dma_wait3A_176 = arith.constant 19968 : i32
        %dma_wait3A_177 = tpu.memref_slice %arg8[%dma_wait3A_176] : memref<20096xi32, #tpu.memory_space<vmem>> -> memref<128xi32, #tpu.memory_space<vmem>>
        %dma_wait3A_178 = tpu.memref_slice %arg3[%add3A_12] : memref<320000xi32, #tpu.memory_space<hbm>> -> memref<128xi32, #tpu.memory_space<hbm>>
        tpu.wait_dma2 semaphore(%run_scoped3A : memref<!tpu.dma_semaphore, #tpu.memory_space<semaphore_mem>>) src(%dma_wait3A_178 : memref<128xi32, #tpu.memory_space<hbm>>) dst(%dma_wait3A_177 : memref<128xi32, #tpu.memory_space<vmem>>)
        tpu.yield
      }) : () -> ()
    } else {
    }
    %lt3A_19 = arith.constant 4 : i32
    %lt3A_20 = arith.cmpi slt, %arg1, %lt3A_19 : i32
    %eq3A_21 = arith.constant 1 : i32
    %eq3A_22 = arith.cmpi eq, %arg0, %eq3A_21 : i32
    %and3A_23 = arith.andi %lt3A_20, %eq3A_22 : i1
    %convert_element_type3A_24 = arith.extui %and3A_23 : i1 to i32
    %cond3A_25 = arith.constant 0 : i32
    %cond3A_26 = arith.cmpi ne, %convert_element_type3A_24, %cond3A_25 : i32
    scf.if %cond3A_26 {
      "tpu.region"() ({
        %run_scoped3A = tpu.sem_alloc : memref<!tpu.dma_semaphore, #tpu.memory_space<semaphore_mem>>
        %dma_start3A_167 = arith.constant 19968 : i32
        %dma_start3A_168 = tpu.memref_slice %arg8[%dma_start3A_167] : memref<20096xi32, #tpu.memory_space<vmem>> -> memref<128xi32, #tpu.memory_space<vmem>>
        %dma_start3A_169 = tpu.memref_slice %arg4[%add3A_12] : memref<320000xi32, #tpu.memory_space<hbm>> -> memref<128xi32, #tpu.memory_space<hbm>>
        %dma_start3A_170 = arith.constant 19968 : i32
        %dma_start3A_171 = tpu.memref_slice %arg8[%dma_start3A_170] : memref<20096xi32, #tpu.memory_space<vmem>> -> memref<128xi32, #tpu.memory_space<vmem>>
        %dma_start3A_172 = tpu.memref_slice %arg4[%add3A_12] : memref<320000xi32, #tpu.memory_space<hbm>> -> memref<128xi32, #tpu.memory_space<hbm>>
        tpu.enqueue_dma source(%dma_start3A_172 : memref<128xi32, #tpu.memory_space<hbm>>) target(%dma_start3A_171 : memref<128xi32, #tpu.memory_space<vmem>>) target_semaphore(%run_scoped3A : memref<!tpu.dma_semaphore, #tpu.memory_space<semaphore_mem>>)
        %dma_wait3A_173 = arith.constant 19968 : i32
        %dma_wait3A_174 = tpu.memref_slice %arg8[%dma_wait3A_173] : memref<20096xi32, #tpu.memory_space<vmem>> -> memref<128xi32, #tpu.memory_space<vmem>>
        %dma_wait3A_175 = tpu.memref_slice %arg4[%add3A_12] : memref<320000xi32, #tpu.memory_space<hbm>> -> memref<128xi32, #tpu.memory_space<hbm>>
        %dma_wait3A_176 = arith.constant 19968 : i32
        %dma_wait3A_177 = tpu.memref_slice %arg8[%dma_wait3A_176] : memref<20096xi32, #tpu.memory_space<vmem>> -> memref<128xi32, #tpu.memory_space<vmem>>
        %dma_wait3A_178 = tpu.memref_slice %arg4[%add3A_12] : memref<320000xi32, #tpu.memory_space<hbm>> -> memref<128xi32, #tpu.memory_space<hbm>>
        tpu.wait_dma2 semaphore(%run_scoped3A : memref<!tpu.dma_semaphore, #tpu.memory_space<semaphore_mem>>) src(%dma_wait3A_178 : memref<128xi32, #tpu.memory_space<hbm>>) dst(%dma_wait3A_177 : memref<128xi32, #tpu.memory_space<vmem>>)
        tpu.yield
      }) : () -> ()
    } else {
    }
    %lt3A_27 = arith.constant 4 : i32
    %lt3A_28 = arith.cmpi slt, %arg1, %lt3A_27 : i32
    %convert_element_type3A_29 = arith.extui %lt3A_28 : i1 to i32
    %cond3A_30 = arith.constant 0 : i32
    %cond3A_31 = arith.cmpi ne, %convert_element_type3A_29, %cond3A_30 : i32
    scf.if %cond3A_31 {
      "tpu.region"() ({
        %run_scoped3A = tpu.sem_alloc : memref<!tpu.dma_semaphore, #tpu.memory_space<semaphore_mem>>
        %dma_start3A_167 = arith.constant 19968 : i32
        %dma_start3A_168 = tpu.memref_slice %arg9[%dma_start3A_167] : memref<20096xi32, #tpu.memory_space<vmem>> -> memref<128xi32, #tpu.memory_space<vmem>>
        %dma_start3A_169 = tpu.memref_slice %arg5[%add3A_12] : memref<320000xi32, #tpu.memory_space<hbm>> -> memref<128xi32, #tpu.memory_space<hbm>>
        %dma_start3A_170 = arith.constant 19968 : i32
        %dma_start3A_171 = tpu.memref_slice %arg9[%dma_start3A_170] : memref<20096xi32, #tpu.memory_space<vmem>> -> memref<128xi32, #tpu.memory_space<vmem>>
        %dma_start3A_172 = tpu.memref_slice %arg5[%add3A_12] : memref<320000xi32, #tpu.memory_space<hbm>> -> memref<128xi32, #tpu.memory_space<hbm>>
        tpu.enqueue_dma source(%dma_start3A_172 : memref<128xi32, #tpu.memory_space<hbm>>) target(%dma_start3A_171 : memref<128xi32, #tpu.memory_space<vmem>>) target_semaphore(%run_scoped3A : memref<!tpu.dma_semaphore, #tpu.memory_space<semaphore_mem>>)
        %dma_wait3A_173 = arith.constant 19968 : i32
        %dma_wait3A_174 = tpu.memref_slice %arg9[%dma_wait3A_173] : memref<20096xi32, #tpu.memory_space<vmem>> -> memref<128xi32, #tpu.memory_space<vmem>>
        %dma_wait3A_175 = tpu.memref_slice %arg5[%add3A_12] : memref<320000xi32, #tpu.memory_space<hbm>> -> memref<128xi32, #tpu.memory_space<hbm>>
        %dma_wait3A_176 = arith.constant 19968 : i32
        %dma_wait3A_177 = tpu.memref_slice %arg9[%dma_wait3A_176] : memref<20096xi32, #tpu.memory_space<vmem>> -> memref<128xi32, #tpu.memory_space<vmem>>
        %dma_wait3A_178 = tpu.memref_slice %arg5[%add3A_12] : memref<320000xi32, #tpu.memory_space<hbm>> -> memref<128xi32, #tpu.memory_space<hbm>>
        tpu.wait_dma2 semaphore(%run_scoped3A : memref<!tpu.dma_semaphore, #tpu.memory_space<semaphore_mem>>) src(%dma_wait3A_178 : memref<128xi32, #tpu.memory_space<hbm>>) dst(%dma_wait3A_177 : memref<128xi32, #tpu.memory_space<vmem>>)
        tpu.yield
      }) : () -> ()
    } else {
    }
    %barrier3A = arith.constant 0 : index
    tpu.barrier barrier_id(%barrier3A)
    %dma_start3A = arith.constant 0 : i32
    %dma_start3A_32 = tpu.memref_slice %arg8[%dma_start3A] : memref<20096xi32, #tpu.memory_space<vmem>> -> memref<128xi32, #tpu.memory_space<vmem>>
    %dma_start3A_33 = arith.constant 0 : i32
    %dma_start3A_34 = arith.constant 0 : i32
    %dma_start3A_35 = tpu.memref_slice %arg2[%dma_start3A_33, %dma_start3A_34] : memref<20000x64xf32, #tpu.memory_space<hbm>> -> memref<20000x64xf32, #tpu.memory_space<hbm>>
    tpu.enqueue_indirect_dma source(%dma_start3A_35 : memref<20000x64xf32, #tpu.memory_space<hbm>>) target(%arg10 : memref<128x64xf32, #tpu.memory_space<vmem>>) offsets(%dma_start3A_32 : memref<128xi32, #tpu.memory_space<vmem>>) semaphore(%arg17 : memref<!tpu.dma_semaphore, #tpu.memory_space<semaphore_mem>>)
    %dma_start3A_36 = arith.constant 128 : i32
    %dma_start3A_37 = tpu.memref_slice %arg8[%dma_start3A_36] : memref<20096xi32, #tpu.memory_space<vmem>> -> memref<128xi32, #tpu.memory_space<vmem>>
    %dma_start3A_38 = arith.constant 0 : i32
    %dma_start3A_39 = arith.constant 0 : i32
    %dma_start3A_40 = tpu.memref_slice %arg2[%dma_start3A_38, %dma_start3A_39] : memref<20000x64xf32, #tpu.memory_space<hbm>> -> memref<20000x64xf32, #tpu.memory_space<hbm>>
    tpu.enqueue_indirect_dma source(%dma_start3A_40 : memref<20000x64xf32, #tpu.memory_space<hbm>>) target(%arg11 : memref<128x64xf32, #tpu.memory_space<vmem>>) offsets(%dma_start3A_37 : memref<128xi32, #tpu.memory_space<vmem>>) semaphore(%arg18 : memref<!tpu.dma_semaphore, #tpu.memory_space<semaphore_mem>>)
    %dma_start3A_41 = arith.constant 256 : i32
    %dma_start3A_42 = tpu.memref_slice %arg8[%dma_start3A_41] : memref<20096xi32, #tpu.memory_space<vmem>> -> memref<128xi32, #tpu.memory_space<vmem>>
    %dma_start3A_43 = arith.constant 0 : i32
    %dma_start3A_44 = arith.constant 0 : i32
    %dma_start3A_45 = tpu.memref_slice %arg2[%dma_start3A_43, %dma_start3A_44] : memref<20000x64xf32, #tpu.memory_space<hbm>> -> memref<20000x64xf32, #tpu.memory_space<hbm>>
    tpu.enqueue_indirect_dma source(%dma_start3A_45 : memref<20000x64xf32, #tpu.memory_space<hbm>>) target(%arg12 : memref<128x64xf32, #tpu.memory_space<vmem>>) offsets(%dma_start3A_42 : memref<128xi32, #tpu.memory_space<vmem>>) semaphore(%arg19 : memref<!tpu.dma_semaphore, #tpu.memory_space<semaphore_mem>>)
    %dma_start3A_46 = arith.constant 384 : i32
    %dma_start3A_47 = tpu.memref_slice %arg8[%dma_start3A_46] : memref<20096xi32, #tpu.memory_space<vmem>> -> memref<128xi32, #tpu.memory_space<vmem>>
    %dma_start3A_48 = arith.constant 0 : i32
    %dma_start3A_49 = arith.constant 0 : i32
    %dma_start3A_50 = tpu.memref_slice %arg2[%dma_start3A_48, %dma_start3A_49] : memref<20000x64xf32, #tpu.memory_space<hbm>> -> memref<20000x64xf32, #tpu.memory_space<hbm>>
    tpu.enqueue_indirect_dma source(%dma_start3A_50 : memref<20000x64xf32, #tpu.memory_space<hbm>>) target(%arg13 : memref<128x64xf32, #tpu.memory_space<vmem>>) offsets(%dma_start3A_47 : memref<128xi32, #tpu.memory_space<vmem>>) semaphore(%arg20 : memref<!tpu.dma_semaphore, #tpu.memory_space<semaphore_mem>>)
    %dma_start3A_51 = arith.constant 512 : i32
    %dma_start3A_52 = tpu.memref_slice %arg8[%dma_start3A_51] : memref<20096xi32, #tpu.memory_space<vmem>> -> memref<128xi32, #tpu.memory_space<vmem>>
    %dma_start3A_53 = arith.constant 0 : i32
    %dma_start3A_54 = arith.constant 0 : i32
    %dma_start3A_55 = tpu.memref_slice %arg2[%dma_start3A_53, %dma_start3A_54] : memref<20000x64xf32, #tpu.memory_space<hbm>> -> memref<20000x64xf32, #tpu.memory_space<hbm>>
    tpu.enqueue_indirect_dma source(%dma_start3A_55 : memref<20000x64xf32, #tpu.memory_space<hbm>>) target(%arg14 : memref<128x64xf32, #tpu.memory_space<vmem>>) offsets(%dma_start3A_52 : memref<128xi32, #tpu.memory_space<vmem>>) semaphore(%arg21 : memref<!tpu.dma_semaphore, #tpu.memory_space<semaphore_mem>>)
    %dma_start3A_56 = arith.constant 640 : i32
    %dma_start3A_57 = tpu.memref_slice %arg8[%dma_start3A_56] : memref<20096xi32, #tpu.memory_space<vmem>> -> memref<128xi32, #tpu.memory_space<vmem>>
    %dma_start3A_58 = arith.constant 0 : i32
    %dma_start3A_59 = arith.constant 0 : i32
    %dma_start3A_60 = tpu.memref_slice %arg2[%dma_start3A_58, %dma_start3A_59] : memref<20000x64xf32, #tpu.memory_space<hbm>> -> memref<20000x64xf32, #tpu.memory_space<hbm>>
    tpu.enqueue_indirect_dma source(%dma_start3A_60 : memref<20000x64xf32, #tpu.memory_space<hbm>>) target(%arg15 : memref<128x64xf32, #tpu.memory_space<vmem>>) offsets(%dma_start3A_57 : memref<128xi32, #tpu.memory_space<vmem>>) semaphore(%arg22 : memref<!tpu.dma_semaphore, #tpu.memory_space<semaphore_mem>>)
    %scan3A = arith.constant 0 : i32
    %scan3A_61 = arith.constant 0 : i32
    %scan3A_62 = arith.constant 25 : i32
    %scan3A_63 = arith.addi %scan3A_61, %scan3A_62 : i32
    %scan3A_64 = arith.constant 1 : i32
    scf.for %scan3A_167 = %scan3A_61 to %scan3A_63 step %scan3A_64  : i32 {
      %mul3A_168 = arith.constant 6 : i32
      %mul3A_169 = arith.muli %scan3A_167, %mul3A_168 : i32
      %dma_wait3A_170 = arith.constant 0 : i32
      %dma_wait3A_171 = tpu.memref_slice %arg8[%dma_wait3A_170] : memref<20096xi32, #tpu.memory_space<vmem>> -> memref<128xi32, #tpu.memory_space<vmem>>
      %dma_wait3A_172 = arith.constant 0 : i32
      %dma_wait3A_173 = arith.constant 0 : i32
      %dma_wait3A_174 = tpu.memref_slice %arg2[%dma_wait3A_172, %dma_wait3A_173] : memref<20000x64xf32, #tpu.memory_space<hbm>> -> memref<20000x64xf32, #tpu.memory_space<hbm>>
      tpu.wait_indirect_dma semaphore(%arg17 : memref<!tpu.dma_semaphore, #tpu.memory_space<semaphore_mem>>) src(%dma_wait3A_174 : memref<20000x64xf32, #tpu.memory_space<hbm>>) dst(%arg10 : memref<128x64xf32, #tpu.memory_space<vmem>>)
      %add3A_175 = arith.constant 0 : i32
      %add3A_176 = arith.addi %mul3A_169, %add3A_175 : i32
      %mul3A_177 = arith.constant 128 : i32
      %mul3A_178 = arith.muli %add3A_176, %mul3A_177 : i32
      %dma_start3A_179 = tpu.memref_slice %arg9[%mul3A_178] : memref<20096xi32, #tpu.memory_space<vmem>> -> memref<128xi32, #tpu.memory_space<vmem>>
      %dma_start3A_180 = arith.constant 0 : i32
      %dma_start3A_181 = arith.constant 0 : i32
      %dma_start3A_182 = tpu.memref_slice %arg16[%dma_start3A_180, %dma_start3A_181] : memref<10240x64xf32, #tpu.memory_space<vmem_shared>> -> memref<10240x64xf32, #tpu.memory_space<vmem_shared>>
      tpu.enqueue_indirect_dma source(%arg10 : memref<128x64xf32, #tpu.memory_space<vmem>>) target(%dma_start3A_182 : memref<10240x64xf32, #tpu.memory_space<vmem_shared>>) offsets(%dma_start3A_179 : memref<128xi32, #tpu.memory_space<vmem>>) semaphore(%arg23 : memref<!tpu.dma_semaphore, #tpu.memory_space<semaphore_mem>>) {add = true}
      %dma_wait3A_183 = arith.constant 0 : i32
      %dma_wait3A_184 = tpu.memref_slice %arg8[%dma_wait3A_183] : memref<20096xi32, #tpu.memory_space<vmem>> -> memref<128xi32, #tpu.memory_space<vmem>>
      %dma_wait3A_185 = arith.constant 0 : i32
      %dma_wait3A_186 = arith.constant 0 : i32
      %dma_wait3A_187 = tpu.memref_slice %arg2[%dma_wait3A_185, %dma_wait3A_186] : memref<20000x64xf32, #tpu.memory_space<hbm>> -> memref<20000x64xf32, #tpu.memory_space<hbm>>
      tpu.wait_indirect_dma semaphore(%arg18 : memref<!tpu.dma_semaphore, #tpu.memory_space<semaphore_mem>>) src(%dma_wait3A_187 : memref<20000x64xf32, #tpu.memory_space<hbm>>) dst(%arg11 : memref<128x64xf32, #tpu.memory_space<vmem>>)
      %add3A_188 = arith.constant 1 : i32
      %add3A_189 = arith.addi %mul3A_169, %add3A_188 : i32
      %mul3A_190 = arith.constant 128 : i32
      %mul3A_191 = arith.muli %add3A_189, %mul3A_190 : i32
      %dma_start3A_192 = tpu.memref_slice %arg9[%mul3A_191] : memref<20096xi32, #tpu.memory_space<vmem>> -> memref<128xi32, #tpu.memory_space<vmem>>
      %dma_start3A_193 = arith.constant 0 : i32
      %dma_start3A_194 = arith.constant 0 : i32
      %dma_start3A_195 = tpu.memref_slice %arg16[%dma_start3A_193, %dma_start3A_194] : memref<10240x64xf32, #tpu.memory_space<vmem_shared>> -> memref<10240x64xf32, #tpu.memory_space<vmem_shared>>
      tpu.enqueue_indirect_dma source(%arg11 : memref<128x64xf32, #tpu.memory_space<vmem>>) target(%dma_start3A_195 : memref<10240x64xf32, #tpu.memory_space<vmem_shared>>) offsets(%dma_start3A_192 : memref<128xi32, #tpu.memory_space<vmem>>) semaphore(%arg24 : memref<!tpu.dma_semaphore, #tpu.memory_space<semaphore_mem>>) {add = true}
      %dma_wait3A_196 = arith.constant 0 : i32
      %dma_wait3A_197 = tpu.memref_slice %arg8[%dma_wait3A_196] : memref<20096xi32, #tpu.memory_space<vmem>> -> memref<128xi32, #tpu.memory_space<vmem>>
      %dma_wait3A_198 = arith.constant 0 : i32
      %dma_wait3A_199 = arith.constant 0 : i32
      %dma_wait3A_200 = tpu.memref_slice %arg2[%dma_wait3A_198, %dma_wait3A_199] : memref<20000x64xf32, #tpu.memory_space<hbm>> -> memref<20000x64xf32, #tpu.memory_space<hbm>>
      tpu.wait_indirect_dma semaphore(%arg19 : memref<!tpu.dma_semaphore, #tpu.memory_space<semaphore_mem>>) src(%dma_wait3A_200 : memref<20000x64xf32, #tpu.memory_space<hbm>>) dst(%arg12 : memref<128x64xf32, #tpu.memory_space<vmem>>)
      %add3A_201 = arith.constant 2 : i32
      %add3A_202 = arith.addi %mul3A_169, %add3A_201 : i32
      %mul3A_203 = arith.constant 128 : i32
      %mul3A_204 = arith.muli %add3A_202, %mul3A_203 : i32
      %dma_start3A_205 = tpu.memref_slice %arg9[%mul3A_204] : memref<20096xi32, #tpu.memory_space<vmem>> -> memref<128xi32, #tpu.memory_space<vmem>>
      %dma_start3A_206 = arith.constant 0 : i32
      %dma_start3A_207 = arith.constant 0 : i32
      %dma_start3A_208 = tpu.memref_slice %arg16[%dma_start3A_206, %dma_start3A_207] : memref<10240x64xf32, #tpu.memory_space<vmem_shared>> -> memref<10240x64xf32, #tpu.memory_space<vmem_shared>>
      tpu.enqueue_indirect_dma source(%arg12 : memref<128x64xf32, #tpu.memory_space<vmem>>) target(%dma_start3A_208 : memref<10240x64xf32, #tpu.memory_space<vmem_shared>>) offsets(%dma_start3A_205 : memref<128xi32, #tpu.memory_space<vmem>>) semaphore(%arg25 : memref<!tpu.dma_semaphore, #tpu.memory_space<semaphore_mem>>) {add = true}
      %dma_wait3A_209 = arith.constant 0 : i32
      %dma_wait3A_210 = tpu.memref_slice %arg8[%dma_wait3A_209] : memref<20096xi32, #tpu.memory_space<vmem>> -> memref<128xi32, #tpu.memory_space<vmem>>
      %dma_wait3A_211 = arith.constant 0 : i32
      %dma_wait3A_212 = arith.constant 0 : i32
      %dma_wait3A_213 = tpu.memref_slice %arg2[%dma_wait3A_211, %dma_wait3A_212] : memref<20000x64xf32, #tpu.memory_space<hbm>> -> memref<20000x64xf32, #tpu.memory_space<hbm>>
      tpu.wait_indirect_dma semaphore(%arg20 : memref<!tpu.dma_semaphore, #tpu.memory_space<semaphore_mem>>) src(%dma_wait3A_213 : memref<20000x64xf32, #tpu.memory_space<hbm>>) dst(%arg13 : memref<128x64xf32, #tpu.memory_space<vmem>>)
      %add3A_214 = arith.constant 3 : i32
      %add3A_215 = arith.addi %mul3A_169, %add3A_214 : i32
      %mul3A_216 = arith.constant 128 : i32
      %mul3A_217 = arith.muli %add3A_215, %mul3A_216 : i32
      %dma_start3A_218 = tpu.memref_slice %arg9[%mul3A_217] : memref<20096xi32, #tpu.memory_space<vmem>> -> memref<128xi32, #tpu.memory_space<vmem>>
      %dma_start3A_219 = arith.constant 0 : i32
      %dma_start3A_220 = arith.constant 0 : i32
      %dma_start3A_221 = tpu.memref_slice %arg16[%dma_start3A_219, %dma_start3A_220] : memref<10240x64xf32, #tpu.memory_space<vmem_shared>> -> memref<10240x64xf32, #tpu.memory_space<vmem_shared>>
      tpu.enqueue_indirect_dma source(%arg13 : memref<128x64xf32, #tpu.memory_space<vmem>>) target(%dma_start3A_221 : memref<10240x64xf32, #tpu.memory_space<vmem_shared>>) offsets(%dma_start3A_218 : memref<128xi32, #tpu.memory_space<vmem>>) semaphore(%arg26 : memref<!tpu.dma_semaphore, #tpu.memory_space<semaphore_mem>>) {add = true}
      %dma_wait3A_222 = arith.constant 0 : i32
      %dma_wait3A_223 = tpu.memref_slice %arg8[%dma_wait3A_222] : memref<20096xi32, #tpu.memory_space<vmem>> -> memref<128xi32, #tpu.memory_space<vmem>>
      %dma_wait3A_224 = arith.constant 0 : i32
      %dma_wait3A_225 = arith.constant 0 : i32
      %dma_wait3A_226 = tpu.memref_slice %arg2[%dma_wait3A_224, %dma_wait3A_225] : memref<20000x64xf32, #tpu.memory_space<hbm>> -> memref<20000x64xf32, #tpu.memory_space<hbm>>
      tpu.wait_indirect_dma semaphore(%arg21 : memref<!tpu.dma_semaphore, #tpu.memory_space<semaphore_mem>>) src(%dma_wait3A_226 : memref<20000x64xf32, #tpu.memory_space<hbm>>) dst(%arg14 : memref<128x64xf32, #tpu.memory_space<vmem>>)
      %add3A_227 = arith.constant 4 : i32
      %add3A_228 = arith.addi %mul3A_169, %add3A_227 : i32
      %mul3A_229 = arith.constant 128 : i32
      %mul3A_230 = arith.muli %add3A_228, %mul3A_229 : i32
      %dma_start3A_231 = tpu.memref_slice %arg9[%mul3A_230] : memref<20096xi32, #tpu.memory_space<vmem>> -> memref<128xi32, #tpu.memory_space<vmem>>
      %dma_start3A_232 = arith.constant 0 : i32
      %dma_start3A_233 = arith.constant 0 : i32
      %dma_start3A_234 = tpu.memref_slice %arg16[%dma_start3A_232, %dma_start3A_233] : memref<10240x64xf32, #tpu.memory_space<vmem_shared>> -> memref<10240x64xf32, #tpu.memory_space<vmem_shared>>
      tpu.enqueue_indirect_dma source(%arg14 : memref<128x64xf32, #tpu.memory_space<vmem>>) target(%dma_start3A_234 : memref<10240x64xf32, #tpu.memory_space<vmem_shared>>) offsets(%dma_start3A_231 : memref<128xi32, #tpu.memory_space<vmem>>) semaphore(%arg27 : memref<!tpu.dma_semaphore, #tpu.memory_space<semaphore_mem>>) {add = true}
      %dma_wait3A_235 = arith.constant 0 : i32
      %dma_wait3A_236 = tpu.memref_slice %arg8[%dma_wait3A_235] : memref<20096xi32, #tpu.memory_space<vmem>> -> memref<128xi32, #tpu.memory_space<vmem>>
      %dma_wait3A_237 = arith.constant 0 : i32
      %dma_wait3A_238 = arith.constant 0 : i32
      %dma_wait3A_239 = tpu.memref_slice %arg2[%dma_wait3A_237, %dma_wait3A_238] : memref<20000x64xf32, #tpu.memory_space<hbm>> -> memref<20000x64xf32, #tpu.memory_space<hbm>>
      tpu.wait_indirect_dma semaphore(%arg22 : memref<!tpu.dma_semaphore, #tpu.memory_space<semaphore_mem>>) src(%dma_wait3A_239 : memref<20000x64xf32, #tpu.memory_space<hbm>>) dst(%arg15 : memref<128x64xf32, #tpu.memory_space<vmem>>)
      %add3A_240 = arith.constant 5 : i32
      %add3A_241 = arith.addi %mul3A_169, %add3A_240 : i32
      %mul3A_242 = arith.constant 128 : i32
      %mul3A_243 = arith.muli %add3A_241, %mul3A_242 : i32
      %dma_start3A_244 = tpu.memref_slice %arg9[%mul3A_243] : memref<20096xi32, #tpu.memory_space<vmem>> -> memref<128xi32, #tpu.memory_space<vmem>>
      %dma_start3A_245 = arith.constant 0 : i32
      %dma_start3A_246 = arith.constant 0 : i32
      %dma_start3A_247 = tpu.memref_slice %arg16[%dma_start3A_245, %dma_start3A_246] : memref<10240x64xf32, #tpu.memory_space<vmem_shared>> -> memref<10240x64xf32, #tpu.memory_space<vmem_shared>>
      tpu.enqueue_indirect_dma source(%arg15 : memref<128x64xf32, #tpu.memory_space<vmem>>) target(%dma_start3A_247 : memref<10240x64xf32, #tpu.memory_space<vmem_shared>>) offsets(%dma_start3A_244 : memref<128xi32, #tpu.memory_space<vmem>>) semaphore(%arg28 : memref<!tpu.dma_semaphore, #tpu.memory_space<semaphore_mem>>) {add = true}
      %dma_wait3A_248 = arith.constant 0 : i32
      %dma_wait3A_249 = tpu.memref_slice %arg9[%dma_wait3A_248] : memref<20096xi32, #tpu.memory_space<vmem>> -> memref<128xi32, #tpu.memory_space<vmem>>
      %dma_wait3A_250 = arith.constant 0 : i32
      %dma_wait3A_251 = arith.constant 0 : i32
      %dma_wait3A_252 = tpu.memref_slice %arg16[%dma_wait3A_250, %dma_wait3A_251] : memref<10240x64xf32, #tpu.memory_space<vmem_shared>> -> memref<10240x64xf32, #tpu.memory_space<vmem_shared>>
      tpu.wait_indirect_dma semaphore(%arg23 : memref<!tpu.dma_semaphore, #tpu.memory_space<semaphore_mem>>) src(%arg10 : memref<128x64xf32, #tpu.memory_space<vmem>>) dst(%dma_wait3A_252 : memref<10240x64xf32, #tpu.memory_space<vmem_shared>>)
      %add3A_253 = arith.constant 6 : i32
      %add3A_254 = arith.addi %mul3A_169, %add3A_253 : i32
      %add3A_255 = arith.constant 0 : i32
      %add3A_256 = arith.addi %add3A_254, %add3A_255 : i32
      %mul3A_257 = arith.constant 128 : i32
      %mul3A_258 = arith.muli %add3A_256, %mul3A_257 : i32
      %dma_start3A_259 = tpu.memref_slice %arg8[%mul3A_258] : memref<20096xi32, #tpu.memory_space<vmem>> -> memref<128xi32, #tpu.memory_space<vmem>>
      %dma_start3A_260 = arith.constant 0 : i32
      %dma_start3A_261 = arith.constant 0 : i32
      %dma_start3A_262 = tpu.memref_slice %arg2[%dma_start3A_260, %dma_start3A_261] : memref<20000x64xf32, #tpu.memory_space<hbm>> -> memref<20000x64xf32, #tpu.memory_space<hbm>>
      tpu.enqueue_indirect_dma source(%dma_start3A_262 : memref<20000x64xf32, #tpu.memory_space<hbm>>) target(%arg10 : memref<128x64xf32, #tpu.memory_space<vmem>>) offsets(%dma_start3A_259 : memref<128xi32, #tpu.memory_space<vmem>>) semaphore(%arg17 : memref<!tpu.dma_semaphore, #tpu.memory_space<semaphore_mem>>)
      %dma_wait3A_263 = arith.constant 0 : i32
      %dma_wait3A_264 = tpu.memref_slice %arg9[%dma_wait3A_263] : memref<20096xi32, #tpu.memory_space<vmem>> -> memref<128xi32, #tpu.memory_space<vmem>>
      %dma_wait3A_265 = arith.constant 0 : i32
      %dma_wait3A_266 = arith.constant 0 : i32
      %dma_wait3A_267 = tpu.memref_slice %arg16[%dma_wait3A_265, %dma_wait3A_266] : memref<10240x64xf32, #tpu.memory_space<vmem_shared>> -> memref<10240x64xf32, #tpu.memory_space<vmem_shared>>
      tpu.wait_indirect_dma semaphore(%arg24 : memref<!tpu.dma_semaphore, #tpu.memory_space<semaphore_mem>>) src(%arg11 : memref<128x64xf32, #tpu.memory_space<vmem>>) dst(%dma_wait3A_267 : memref<10240x64xf32, #tpu.memory_space<vmem_shared>>)
      %add3A_268 = arith.constant 6 : i32
      %add3A_269 = arith.addi %mul3A_169, %add3A_268 : i32
      %add3A_270 = arith.constant 1 : i32
      %add3A_271 = arith.addi %add3A_269, %add3A_270 : i32
      %mul3A_272 = arith.constant 128 : i32
      %mul3A_273 = arith.muli %add3A_271, %mul3A_272 : i32
      %dma_start3A_274 = tpu.memref_slice %arg8[%mul3A_273] : memref<20096xi32, #tpu.memory_space<vmem>> -> memref<128xi32, #tpu.memory_space<vmem>>
      %dma_start3A_275 = arith.constant 0 : i32
      %dma_start3A_276 = arith.constant 0 : i32
      %dma_start3A_277 = tpu.memref_slice %arg2[%dma_start3A_275, %dma_start3A_276] : memref<20000x64xf32, #tpu.memory_space<hbm>> -> memref<20000x64xf32, #tpu.memory_space<hbm>>
      tpu.enqueue_indirect_dma source(%dma_start3A_277 : memref<20000x64xf32, #tpu.memory_space<hbm>>) target(%arg11 : memref<128x64xf32, #tpu.memory_space<vmem>>) offsets(%dma_start3A_274 : memref<128xi32, #tpu.memory_space<vmem>>) semaphore(%arg18 : memref<!tpu.dma_semaphore, #tpu.memory_space<semaphore_mem>>)
      %dma_wait3A_278 = arith.constant 0 : i32
      %dma_wait3A_279 = tpu.memref_slice %arg9[%dma_wait3A_278] : memref<20096xi32, #tpu.memory_space<vmem>> -> memref<128xi32, #tpu.memory_space<vmem>>
      %dma_wait3A_280 = arith.constant 0 : i32
      %dma_wait3A_281 = arith.constant 0 : i32
      %dma_wait3A_282 = tpu.memref_slice %arg16[%dma_wait3A_280, %dma_wait3A_281] : memref<10240x64xf32, #tpu.memory_space<vmem_shared>> -> memref<10240x64xf32, #tpu.memory_space<vmem_shared>>
      tpu.wait_indirect_dma semaphore(%arg25 : memref<!tpu.dma_semaphore, #tpu.memory_space<semaphore_mem>>) src(%arg12 : memref<128x64xf32, #tpu.memory_space<vmem>>) dst(%dma_wait3A_282 : memref<10240x64xf32, #tpu.memory_space<vmem_shared>>)
      %add3A_283 = arith.constant 6 : i32
      %add3A_284 = arith.addi %mul3A_169, %add3A_283 : i32
      %add3A_285 = arith.constant 2 : i32
      %add3A_286 = arith.addi %add3A_284, %add3A_285 : i32
      %mul3A_287 = arith.constant 128 : i32
      %mul3A_288 = arith.muli %add3A_286, %mul3A_287 : i32
      %dma_start3A_289 = tpu.memref_slice %arg8[%mul3A_288] : memref<20096xi32, #tpu.memory_space<vmem>> -> memref<128xi32, #tpu.memory_space<vmem>>
      %dma_start3A_290 = arith.constant 0 : i32
      %dma_start3A_291 = arith.constant 0 : i32
      %dma_start3A_292 = tpu.memref_slice %arg2[%dma_start3A_290, %dma_start3A_291] : memref<20000x64xf32, #tpu.memory_space<hbm>> -> memref<20000x64xf32, #tpu.memory_space<hbm>>
      tpu.enqueue_indirect_dma source(%dma_start3A_292 : memref<20000x64xf32, #tpu.memory_space<hbm>>) target(%arg12 : memref<128x64xf32, #tpu.memory_space<vmem>>) offsets(%dma_start3A_289 : memref<128xi32, #tpu.memory_space<vmem>>) semaphore(%arg19 : memref<!tpu.dma_semaphore, #tpu.memory_space<semaphore_mem>>)
      %dma_wait3A_293 = arith.constant 0 : i32
      %dma_wait3A_294 = tpu.memref_slice %arg9[%dma_wait3A_293] : memref<20096xi32, #tpu.memory_space<vmem>> -> memref<128xi32, #tpu.memory_space<vmem>>
      %dma_wait3A_295 = arith.constant 0 : i32
      %dma_wait3A_296 = arith.constant 0 : i32
      %dma_wait3A_297 = tpu.memref_slice %arg16[%dma_wait3A_295, %dma_wait3A_296] : memref<10240x64xf32, #tpu.memory_space<vmem_shared>> -> memref<10240x64xf32, #tpu.memory_space<vmem_shared>>
      tpu.wait_indirect_dma semaphore(%arg26 : memref<!tpu.dma_semaphore, #tpu.memory_space<semaphore_mem>>) src(%arg13 : memref<128x64xf32, #tpu.memory_space<vmem>>) dst(%dma_wait3A_297 : memref<10240x64xf32, #tpu.memory_space<vmem_shared>>)
      %add3A_298 = arith.constant 6 : i32
      %add3A_299 = arith.addi %mul3A_169, %add3A_298 : i32
      %add3A_300 = arith.constant 3 : i32
      %add3A_301 = arith.addi %add3A_299, %add3A_300 : i32
      %mul3A_302 = arith.constant 128 : i32
      %mul3A_303 = arith.muli %add3A_301, %mul3A_302 : i32
      %dma_start3A_304 = tpu.memref_slice %arg8[%mul3A_303] : memref<20096xi32, #tpu.memory_space<vmem>> -> memref<128xi32, #tpu.memory_space<vmem>>
      %dma_start3A_305 = arith.constant 0 : i32
      %dma_start3A_306 = arith.constant 0 : i32
      %dma_start3A_307 = tpu.memref_slice %arg2[%dma_start3A_305, %dma_start3A_306] : memref<20000x64xf32, #tpu.memory_space<hbm>> -> memref<20000x64xf32, #tpu.memory_space<hbm>>
      tpu.enqueue_indirect_dma source(%dma_start3A_307 : memref<20000x64xf32, #tpu.memory_space<hbm>>) target(%arg13 : memref<128x64xf32, #tpu.memory_space<vmem>>) offsets(%dma_start3A_304 : memref<128xi32, #tpu.memory_space<vmem>>) semaphore(%arg20 : memref<!tpu.dma_semaphore, #tpu.memory_space<semaphore_mem>>)
      %dma_wait3A_308 = arith.constant 0 : i32
      %dma_wait3A_309 = tpu.memref_slice %arg9[%dma_wait3A_308] : memref<20096xi32, #tpu.memory_space<vmem>> -> memref<128xi32, #tpu.memory_space<vmem>>
      %dma_wait3A_310 = arith.constant 0 : i32
      %dma_wait3A_311 = arith.constant 0 : i32
      %dma_wait3A_312 = tpu.memref_slice %arg16[%dma_wait3A_310, %dma_wait3A_311] : memref<10240x64xf32, #tpu.memory_space<vmem_shared>> -> memref<10240x64xf32, #tpu.memory_space<vmem_shared>>
      tpu.wait_indirect_dma semaphore(%arg27 : memref<!tpu.dma_semaphore, #tpu.memory_space<semaphore_mem>>) src(%arg14 : memref<128x64xf32, #tpu.memory_space<vmem>>) dst(%dma_wait3A_312 : memref<10240x64xf32, #tpu.memory_space<vmem_shared>>)
      %add3A_313 = arith.constant 6 : i32
      %add3A_314 = arith.addi %mul3A_169, %add3A_313 : i32
      %add3A_315 = arith.constant 4 : i32
      %add3A_316 = arith.addi %add3A_314, %add3A_315 : i32
      %mul3A_317 = arith.constant 128 : i32
      %mul3A_318 = arith.muli %add3A_316, %mul3A_317 : i32
      %dma_start3A_319 = tpu.memref_slice %arg8[%mul3A_318] : memref<20096xi32, #tpu.memory_space<vmem>> -> memref<128xi32, #tpu.memory_space<vmem>>
      %dma_start3A_320 = arith.constant 0 : i32
      %dma_start3A_321 = arith.constant 0 : i32
      %dma_start3A_322 = tpu.memref_slice %arg2[%dma_start3A_320, %dma_start3A_321] : memref<20000x64xf32, #tpu.memory_space<hbm>> -> memref<20000x64xf32, #tpu.memory_space<hbm>>
      tpu.enqueue_indirect_dma source(%dma_start3A_322 : memref<20000x64xf32, #tpu.memory_space<hbm>>) target(%arg14 : memref<128x64xf32, #tpu.memory_space<vmem>>) offsets(%dma_start3A_319 : memref<128xi32, #tpu.memory_space<vmem>>) semaphore(%arg21 : memref<!tpu.dma_semaphore, #tpu.memory_space<semaphore_mem>>)
      %dma_wait3A_323 = arith.constant 0 : i32
      %dma_wait3A_324 = tpu.memref_slice %arg9[%dma_wait3A_323] : memref<20096xi32, #tpu.memory_space<vmem>> -> memref<128xi32, #tpu.memory_space<vmem>>
      %dma_wait3A_325 = arith.constant 0 : i32
      %dma_wait3A_326 = arith.constant 0 : i32
      %dma_wait3A_327 = tpu.memref_slice %arg16[%dma_wait3A_325, %dma_wait3A_326] : memref<10240x64xf32, #tpu.memory_space<vmem_shared>> -> memref<10240x64xf32, #tpu.memory_space<vmem_shared>>
      tpu.wait_indirect_dma semaphore(%arg28 : memref<!tpu.dma_semaphore, #tpu.memory_space<semaphore_mem>>) src(%arg15 : memref<128x64xf32, #tpu.memory_space<vmem>>) dst(%dma_wait3A_327 : memref<10240x64xf32, #tpu.memory_space<vmem_shared>>)
      %add3A_328 = arith.constant 6 : i32
      %add3A_329 = arith.addi %mul3A_169, %add3A_328 : i32
      %add3A_330 = arith.constant 5 : i32
      %add3A_331 = arith.addi %add3A_329, %add3A_330 : i32
      %mul3A_332 = arith.constant 128 : i32
      %mul3A_333 = arith.muli %add3A_331, %mul3A_332 : i32
      %dma_start3A_334 = tpu.memref_slice %arg8[%mul3A_333] : memref<20096xi32, #tpu.memory_space<vmem>> -> memref<128xi32, #tpu.memory_space<vmem>>
      %dma_start3A_335 = arith.constant 0 : i32
      %dma_start3A_336 = arith.constant 0 : i32
      %dma_start3A_337 = tpu.memref_slice %arg2[%dma_start3A_335, %dma_start3A_336] : memref<20000x64xf32, #tpu.memory_space<hbm>> -> memref<20000x64xf32, #tpu.memory_space<hbm>>
      tpu.enqueue_indirect_dma source(%dma_start3A_337 : memref<20000x64xf32, #tpu.memory_space<hbm>>) target(%arg15 : memref<128x64xf32, #tpu.memory_space<vmem>>) offsets(%dma_start3A_334 : memref<128xi32, #tpu.memory_space<vmem>>) semaphore(%arg22 : memref<!tpu.dma_semaphore, #tpu.memory_space<semaphore_mem>>)
    }
    %scan3A_65 = arith.constant 25 : i32
    %dma_wait3A = arith.constant 0 : i32
    %dma_wait3A_66 = tpu.memref_slice %arg8[%dma_wait3A] : memref<20096xi32, #tpu.memory_space<vmem>> -> memref<128xi32, #tpu.memory_space<vmem>>
    %dma_wait3A_67 = arith.constant 0 : i32
    %dma_wait3A_68 = arith.constant 0 : i32
    %dma_wait3A_69 = tpu.memref_slice %arg2[%dma_wait3A_67, %dma_wait3A_68] : memref<20000x64xf32, #tpu.memory_space<hbm>> -> memref<20000x64xf32, #tpu.memory_space<hbm>>
    tpu.wait_indirect_dma semaphore(%arg17 : memref<!tpu.dma_semaphore, #tpu.memory_space<semaphore_mem>>) src(%dma_wait3A_69 : memref<20000x64xf32, #tpu.memory_space<hbm>>) dst(%arg10 : memref<128x64xf32, #tpu.memory_space<vmem>>)
    %dma_start3A_70 = arith.constant 19200 : i32
    %dma_start3A_71 = tpu.memref_slice %arg9[%dma_start3A_70] : memref<20096xi32, #tpu.memory_space<vmem>> -> memref<128xi32, #tpu.memory_space<vmem>>
    %dma_start3A_72 = arith.constant 0 : i32
    %dma_start3A_73 = arith.constant 0 : i32
    %dma_start3A_74 = tpu.memref_slice %arg16[%dma_start3A_72, %dma_start3A_73] : memref<10240x64xf32, #tpu.memory_space<vmem_shared>> -> memref<10240x64xf32, #tpu.memory_space<vmem_shared>>
    tpu.enqueue_indirect_dma source(%arg10 : memref<128x64xf32, #tpu.memory_space<vmem>>) target(%dma_start3A_74 : memref<10240x64xf32, #tpu.memory_space<vmem_shared>>) offsets(%dma_start3A_71 : memref<128xi32, #tpu.memory_space<vmem>>) semaphore(%arg23 : memref<!tpu.dma_semaphore, #tpu.memory_space<semaphore_mem>>) {add = true}
    %dma_wait3A_75 = arith.constant 0 : i32
    %dma_wait3A_76 = tpu.memref_slice %arg8[%dma_wait3A_75] : memref<20096xi32, #tpu.memory_space<vmem>> -> memref<128xi32, #tpu.memory_space<vmem>>
    %dma_wait3A_77 = arith.constant 0 : i32
    %dma_wait3A_78 = arith.constant 0 : i32
    %dma_wait3A_79 = tpu.memref_slice %arg2[%dma_wait3A_77, %dma_wait3A_78] : memref<20000x64xf32, #tpu.memory_space<hbm>> -> memref<20000x64xf32, #tpu.memory_space<hbm>>
    tpu.wait_indirect_dma semaphore(%arg18 : memref<!tpu.dma_semaphore, #tpu.memory_space<semaphore_mem>>) src(%dma_wait3A_79 : memref<20000x64xf32, #tpu.memory_space<hbm>>) dst(%arg11 : memref<128x64xf32, #tpu.memory_space<vmem>>)
    %dma_start3A_80 = arith.constant 19328 : i32
    %dma_start3A_81 = tpu.memref_slice %arg9[%dma_start3A_80] : memref<20096xi32, #tpu.memory_space<vmem>> -> memref<128xi32, #tpu.memory_space<vmem>>
    %dma_start3A_82 = arith.constant 0 : i32
    %dma_start3A_83 = arith.constant 0 : i32
    %dma_start3A_84 = tpu.memref_slice %arg16[%dma_start3A_82, %dma_start3A_83] : memref<10240x64xf32, #tpu.memory_space<vmem_shared>> -> memref<10240x64xf32, #tpu.memory_space<vmem_shared>>
    tpu.enqueue_indirect_dma source(%arg11 : memref<128x64xf32, #tpu.memory_space<vmem>>) target(%dma_start3A_84 : memref<10240x64xf32, #tpu.memory_space<vmem_shared>>) offsets(%dma_start3A_81 : memref<128xi32, #tpu.memory_space<vmem>>) semaphore(%arg24 : memref<!tpu.dma_semaphore, #tpu.memory_space<semaphore_mem>>) {add = true}
    %dma_wait3A_85 = arith.constant 0 : i32
    %dma_wait3A_86 = tpu.memref_slice %arg8[%dma_wait3A_85] : memref<20096xi32, #tpu.memory_space<vmem>> -> memref<128xi32, #tpu.memory_space<vmem>>
    %dma_wait3A_87 = arith.constant 0 : i32
    %dma_wait3A_88 = arith.constant 0 : i32
    %dma_wait3A_89 = tpu.memref_slice %arg2[%dma_wait3A_87, %dma_wait3A_88] : memref<20000x64xf32, #tpu.memory_space<hbm>> -> memref<20000x64xf32, #tpu.memory_space<hbm>>
    tpu.wait_indirect_dma semaphore(%arg19 : memref<!tpu.dma_semaphore, #tpu.memory_space<semaphore_mem>>) src(%dma_wait3A_89 : memref<20000x64xf32, #tpu.memory_space<hbm>>) dst(%arg12 : memref<128x64xf32, #tpu.memory_space<vmem>>)
    %dma_start3A_90 = arith.constant 19456 : i32
    %dma_start3A_91 = tpu.memref_slice %arg9[%dma_start3A_90] : memref<20096xi32, #tpu.memory_space<vmem>> -> memref<128xi32, #tpu.memory_space<vmem>>
    %dma_start3A_92 = arith.constant 0 : i32
    %dma_start3A_93 = arith.constant 0 : i32
    %dma_start3A_94 = tpu.memref_slice %arg16[%dma_start3A_92, %dma_start3A_93] : memref<10240x64xf32, #tpu.memory_space<vmem_shared>> -> memref<10240x64xf32, #tpu.memory_space<vmem_shared>>
    tpu.enqueue_indirect_dma source(%arg12 : memref<128x64xf32, #tpu.memory_space<vmem>>) target(%dma_start3A_94 : memref<10240x64xf32, #tpu.memory_space<vmem_shared>>) offsets(%dma_start3A_91 : memref<128xi32, #tpu.memory_space<vmem>>) semaphore(%arg25 : memref<!tpu.dma_semaphore, #tpu.memory_space<semaphore_mem>>) {add = true}
    %dma_wait3A_95 = arith.constant 0 : i32
    %dma_wait3A_96 = tpu.memref_slice %arg8[%dma_wait3A_95] : memref<20096xi32, #tpu.memory_space<vmem>> -> memref<128xi32, #tpu.memory_space<vmem>>
    %dma_wait3A_97 = arith.constant 0 : i32
    %dma_wait3A_98 = arith.constant 0 : i32
    %dma_wait3A_99 = tpu.memref_slice %arg2[%dma_wait3A_97, %dma_wait3A_98] : memref<20000x64xf32, #tpu.memory_space<hbm>> -> memref<20000x64xf32, #tpu.memory_space<hbm>>
    tpu.wait_indirect_dma semaphore(%arg20 : memref<!tpu.dma_semaphore, #tpu.memory_space<semaphore_mem>>) src(%dma_wait3A_99 : memref<20000x64xf32, #tpu.memory_space<hbm>>) dst(%arg13 : memref<128x64xf32, #tpu.memory_space<vmem>>)
    %dma_start3A_100 = arith.constant 19584 : i32
    %dma_start3A_101 = tpu.memref_slice %arg9[%dma_start3A_100] : memref<20096xi32, #tpu.memory_space<vmem>> -> memref<128xi32, #tpu.memory_space<vmem>>
    %dma_start3A_102 = arith.constant 0 : i32
    %dma_start3A_103 = arith.constant 0 : i32
    %dma_start3A_104 = tpu.memref_slice %arg16[%dma_start3A_102, %dma_start3A_103] : memref<10240x64xf32, #tpu.memory_space<vmem_shared>> -> memref<10240x64xf32, #tpu.memory_space<vmem_shared>>
    tpu.enqueue_indirect_dma source(%arg13 : memref<128x64xf32, #tpu.memory_space<vmem>>) target(%dma_start3A_104 : memref<10240x64xf32, #tpu.memory_space<vmem_shared>>) offsets(%dma_start3A_101 : memref<128xi32, #tpu.memory_space<vmem>>) semaphore(%arg26 : memref<!tpu.dma_semaphore, #tpu.memory_space<semaphore_mem>>) {add = true}
    %dma_wait3A_105 = arith.constant 0 : i32
    %dma_wait3A_106 = tpu.memref_slice %arg8[%dma_wait3A_105] : memref<20096xi32, #tpu.memory_space<vmem>> -> memref<128xi32, #tpu.memory_space<vmem>>
    %dma_wait3A_107 = arith.constant 0 : i32
    %dma_wait3A_108 = arith.constant 0 : i32
    %dma_wait3A_109 = tpu.memref_slice %arg2[%dma_wait3A_107, %dma_wait3A_108] : memref<20000x64xf32, #tpu.memory_space<hbm>> -> memref<20000x64xf32, #tpu.memory_space<hbm>>
    tpu.wait_indirect_dma semaphore(%arg21 : memref<!tpu.dma_semaphore, #tpu.memory_space<semaphore_mem>>) src(%dma_wait3A_109 : memref<20000x64xf32, #tpu.memory_space<hbm>>) dst(%arg14 : memref<128x64xf32, #tpu.memory_space<vmem>>)
    %dma_start3A_110 = arith.constant 19712 : i32
    %dma_start3A_111 = tpu.memref_slice %arg9[%dma_start3A_110] : memref<20096xi32, #tpu.memory_space<vmem>> -> memref<128xi32, #tpu.memory_space<vmem>>
    %dma_start3A_112 = arith.constant 0 : i32
    %dma_start3A_113 = arith.constant 0 : i32
    %dma_start3A_114 = tpu.memref_slice %arg16[%dma_start3A_112, %dma_start3A_113] : memref<10240x64xf32, #tpu.memory_space<vmem_shared>> -> memref<10240x64xf32, #tpu.memory_space<vmem_shared>>
    tpu.enqueue_indirect_dma source(%arg14 : memref<128x64xf32, #tpu.memory_space<vmem>>) target(%dma_start3A_114 : memref<10240x64xf32, #tpu.memory_space<vmem_shared>>) offsets(%dma_start3A_111 : memref<128xi32, #tpu.memory_space<vmem>>) semaphore(%arg27 : memref<!tpu.dma_semaphore, #tpu.memory_space<semaphore_mem>>) {add = true}
    %dma_wait3A_115 = arith.constant 0 : i32
    %dma_wait3A_116 = tpu.memref_slice %arg8[%dma_wait3A_115] : memref<20096xi32, #tpu.memory_space<vmem>> -> memref<128xi32, #tpu.memory_space<vmem>>
    %dma_wait3A_117 = arith.constant 0 : i32
    %dma_wait3A_118 = arith.constant 0 : i32
    %dma_wait3A_119 = tpu.memref_slice %arg2[%dma_wait3A_117, %dma_wait3A_118] : memref<20000x64xf32, #tpu.memory_space<hbm>> -> memref<20000x64xf32, #tpu.memory_space<hbm>>
    tpu.wait_indirect_dma semaphore(%arg22 : memref<!tpu.dma_semaphore, #tpu.memory_space<semaphore_mem>>) src(%dma_wait3A_119 : memref<20000x64xf32, #tpu.memory_space<hbm>>) dst(%arg15 : memref<128x64xf32, #tpu.memory_space<vmem>>)
    %dma_start3A_120 = arith.constant 19840 : i32
    %dma_start3A_121 = tpu.memref_slice %arg9[%dma_start3A_120] : memref<20096xi32, #tpu.memory_space<vmem>> -> memref<128xi32, #tpu.memory_space<vmem>>
    %dma_start3A_122 = arith.constant 0 : i32
    %dma_start3A_123 = arith.constant 0 : i32
    %dma_start3A_124 = tpu.memref_slice %arg16[%dma_start3A_122, %dma_start3A_123] : memref<10240x64xf32, #tpu.memory_space<vmem_shared>> -> memref<10240x64xf32, #tpu.memory_space<vmem_shared>>
    tpu.enqueue_indirect_dma source(%arg15 : memref<128x64xf32, #tpu.memory_space<vmem>>) target(%dma_start3A_124 : memref<10240x64xf32, #tpu.memory_space<vmem_shared>>) offsets(%dma_start3A_121 : memref<128xi32, #tpu.memory_space<vmem>>) semaphore(%arg28 : memref<!tpu.dma_semaphore, #tpu.memory_space<semaphore_mem>>) {add = true}
    %dma_wait3A_125 = arith.constant 0 : i32
    %dma_wait3A_126 = tpu.memref_slice %arg9[%dma_wait3A_125] : memref<20096xi32, #tpu.memory_space<vmem>> -> memref<128xi32, #tpu.memory_space<vmem>>
    %dma_wait3A_127 = arith.constant 0 : i32
    %dma_wait3A_128 = arith.constant 0 : i32
    %dma_wait3A_129 = tpu.memref_slice %arg16[%dma_wait3A_127, %dma_wait3A_128] : memref<10240x64xf32, #tpu.memory_space<vmem_shared>> -> memref<10240x64xf32, #tpu.memory_space<vmem_shared>>
    tpu.wait_indirect_dma semaphore(%arg23 : memref<!tpu.dma_semaphore, #tpu.memory_space<semaphore_mem>>) src(%arg10 : memref<128x64xf32, #tpu.memory_space<vmem>>) dst(%dma_wait3A_129 : memref<10240x64xf32, #tpu.memory_space<vmem_shared>>)
    %dma_wait3A_130 = arith.constant 0 : i32
    %dma_wait3A_131 = tpu.memref_slice %arg9[%dma_wait3A_130] : memref<20096xi32, #tpu.memory_space<vmem>> -> memref<128xi32, #tpu.memory_space<vmem>>
    %dma_wait3A_132 = arith.constant 0 : i32
    %dma_wait3A_133 = arith.constant 0 : i32
    %dma_wait3A_134 = tpu.memref_slice %arg16[%dma_wait3A_132, %dma_wait3A_133] : memref<10240x64xf32, #tpu.memory_space<vmem_shared>> -> memref<10240x64xf32, #tpu.memory_space<vmem_shared>>
    tpu.wait_indirect_dma semaphore(%arg24 : memref<!tpu.dma_semaphore, #tpu.memory_space<semaphore_mem>>) src(%arg11 : memref<128x64xf32, #tpu.memory_space<vmem>>) dst(%dma_wait3A_134 : memref<10240x64xf32, #tpu.memory_space<vmem_shared>>)
    %dma_wait3A_135 = arith.constant 0 : i32
    %dma_wait3A_136 = tpu.memref_slice %arg9[%dma_wait3A_135] : memref<20096xi32, #tpu.memory_space<vmem>> -> memref<128xi32, #tpu.memory_space<vmem>>
    %dma_wait3A_137 = arith.constant 0 : i32
    %dma_wait3A_138 = arith.constant 0 : i32
    %dma_wait3A_139 = tpu.memref_slice %arg16[%dma_wait3A_137, %dma_wait3A_138] : memref<10240x64xf32, #tpu.memory_space<vmem_shared>> -> memref<10240x64xf32, #tpu.memory_space<vmem_shared>>
    tpu.wait_indirect_dma semaphore(%arg25 : memref<!tpu.dma_semaphore, #tpu.memory_space<semaphore_mem>>) src(%arg12 : memref<128x64xf32, #tpu.memory_space<vmem>>) dst(%dma_wait3A_139 : memref<10240x64xf32, #tpu.memory_space<vmem_shared>>)
    %dma_wait3A_140 = arith.constant 0 : i32
    %dma_wait3A_141 = tpu.memref_slice %arg9[%dma_wait3A_140] : memref<20096xi32, #tpu.memory_space<vmem>> -> memref<128xi32, #tpu.memory_space<vmem>>
    %dma_wait3A_142 = arith.constant 0 : i32
    %dma_wait3A_143 = arith.constant 0 : i32
    %dma_wait3A_144 = tpu.memref_slice %arg16[%dma_wait3A_142, %dma_wait3A_143] : memref<10240x64xf32, #tpu.memory_space<vmem_shared>> -> memref<10240x64xf32, #tpu.memory_space<vmem_shared>>
    tpu.wait_indirect_dma semaphore(%arg26 : memref<!tpu.dma_semaphore, #tpu.memory_space<semaphore_mem>>) src(%arg13 : memref<128x64xf32, #tpu.memory_space<vmem>>) dst(%dma_wait3A_144 : memref<10240x64xf32, #tpu.memory_space<vmem_shared>>)
    %dma_wait3A_145 = arith.constant 0 : i32
    %dma_wait3A_146 = tpu.memref_slice %arg9[%dma_wait3A_145] : memref<20096xi32, #tpu.memory_space<vmem>> -> memref<128xi32, #tpu.memory_space<vmem>>
    %dma_wait3A_147 = arith.constant 0 : i32
    %dma_wait3A_148 = arith.constant 0 : i32
    %dma_wait3A_149 = tpu.memref_slice %arg16[%dma_wait3A_147, %dma_wait3A_148] : memref<10240x64xf32, #tpu.memory_space<vmem_shared>> -> memref<10240x64xf32, #tpu.memory_space<vmem_shared>>
    tpu.wait_indirect_dma semaphore(%arg27 : memref<!tpu.dma_semaphore, #tpu.memory_space<semaphore_mem>>) src(%arg14 : memref<128x64xf32, #tpu.memory_space<vmem>>) dst(%dma_wait3A_149 : memref<10240x64xf32, #tpu.memory_space<vmem_shared>>)
    %dma_wait3A_150 = arith.constant 0 : i32
    %dma_wait3A_151 = tpu.memref_slice %arg9[%dma_wait3A_150] : memref<20096xi32, #tpu.memory_space<vmem>> -> memref<128xi32, #tpu.memory_space<vmem>>
    %dma_wait3A_152 = arith.constant 0 : i32
    %dma_wait3A_153 = arith.constant 0 : i32
    %dma_wait3A_154 = tpu.memref_slice %arg16[%dma_wait3A_152, %dma_wait3A_153] : memref<10240x64xf32, #tpu.memory_space<vmem_shared>> -> memref<10240x64xf32, #tpu.memory_space<vmem_shared>>
    tpu.wait_indirect_dma semaphore(%arg28 : memref<!tpu.dma_semaphore, #tpu.memory_space<semaphore_mem>>) src(%arg15 : memref<128x64xf32, #tpu.memory_space<vmem>>) dst(%dma_wait3A_154 : memref<10240x64xf32, #tpu.memory_space<vmem_shared>>)
    %lt3A_155 = arith.constant 4 : i32
    %lt3A_156 = arith.cmpi slt, %arg1, %lt3A_155 : i32
    %convert_element_type3A_157 = arith.extui %lt3A_156 : i1 to i32
    %cond3A_158 = arith.constant 0 : i32
    %cond3A_159 = arith.cmpi ne, %convert_element_type3A_157, %cond3A_158 : i32
    scf.if %cond3A_159 {
      %dma_start3A_167 = arith.constant 19968 : i32
      %dma_start3A_168 = tpu.memref_slice %arg8[%dma_start3A_167] : memref<20096xi32, #tpu.memory_space<vmem>> -> memref<128xi32, #tpu.memory_space<vmem>>
      %dma_start3A_169 = arith.constant 0 : i32
      %dma_start3A_170 = arith.constant 0 : i32
      %dma_start3A_171 = tpu.memref_slice %arg2[%dma_start3A_169, %dma_start3A_170] : memref<20000x64xf32, #tpu.memory_space<hbm>> -> memref<20000x64xf32, #tpu.memory_space<hbm>>
      tpu.enqueue_indirect_dma source(%dma_start3A_171 : memref<20000x64xf32, #tpu.memory_space<hbm>>) target(%arg10 : memref<128x64xf32, #tpu.memory_space<vmem>>) offsets(%dma_start3A_168 : memref<128xi32, #tpu.memory_space<vmem>>) semaphore(%arg17 : memref<!tpu.dma_semaphore, #tpu.memory_space<semaphore_mem>>)
      %dma_wait3A_172 = arith.constant 0 : i32
      %dma_wait3A_173 = tpu.memref_slice %arg8[%dma_wait3A_172] : memref<20096xi32, #tpu.memory_space<vmem>> -> memref<128xi32, #tpu.memory_space<vmem>>
      %dma_wait3A_174 = arith.constant 0 : i32
      %dma_wait3A_175 = arith.constant 0 : i32
      %dma_wait3A_176 = tpu.memref_slice %arg2[%dma_wait3A_174, %dma_wait3A_175] : memref<20000x64xf32, #tpu.memory_space<hbm>> -> memref<20000x64xf32, #tpu.memory_space<hbm>>
      tpu.wait_indirect_dma semaphore(%arg17 : memref<!tpu.dma_semaphore, #tpu.memory_space<semaphore_mem>>) src(%dma_wait3A_176 : memref<20000x64xf32, #tpu.memory_space<hbm>>) dst(%arg10 : memref<128x64xf32, #tpu.memory_space<vmem>>)
      %dma_start3A_177 = arith.constant 19968 : i32
      %dma_start3A_178 = tpu.memref_slice %arg9[%dma_start3A_177] : memref<20096xi32, #tpu.memory_space<vmem>> -> memref<128xi32, #tpu.memory_space<vmem>>
      %dma_start3A_179 = arith.constant 0 : i32
      %dma_start3A_180 = arith.constant 0 : i32
      %dma_start3A_181 = tpu.memref_slice %arg16[%dma_start3A_179, %dma_start3A_180] : memref<10240x64xf32, #tpu.memory_space<vmem_shared>> -> memref<10240x64xf32, #tpu.memory_space<vmem_shared>>
      tpu.enqueue_indirect_dma source(%arg10 : memref<128x64xf32, #tpu.memory_space<vmem>>) target(%dma_start3A_181 : memref<10240x64xf32, #tpu.memory_space<vmem_shared>>) offsets(%dma_start3A_178 : memref<128xi32, #tpu.memory_space<vmem>>) semaphore(%arg23 : memref<!tpu.dma_semaphore, #tpu.memory_space<semaphore_mem>>) {add = true}
      %dma_wait3A_182 = arith.constant 0 : i32
      %dma_wait3A_183 = tpu.memref_slice %arg9[%dma_wait3A_182] : memref<20096xi32, #tpu.memory_space<vmem>> -> memref<128xi32, #tpu.memory_space<vmem>>
      %dma_wait3A_184 = arith.constant 0 : i32
      %dma_wait3A_185 = arith.constant 0 : i32
      %dma_wait3A_186 = tpu.memref_slice %arg16[%dma_wait3A_184, %dma_wait3A_185] : memref<10240x64xf32, #tpu.memory_space<vmem_shared>> -> memref<10240x64xf32, #tpu.memory_space<vmem_shared>>
      tpu.wait_indirect_dma semaphore(%arg23 : memref<!tpu.dma_semaphore, #tpu.memory_space<semaphore_mem>>) src(%arg10 : memref<128x64xf32, #tpu.memory_space<vmem>>) dst(%dma_wait3A_186 : memref<10240x64xf32, #tpu.memory_space<vmem_shared>>)
    } else {
    }
    %barrier3A_160 = arith.constant 0 : index
    tpu.barrier barrier_id(%barrier3A_160)
    %mul3A_161 = arith.constant 640 : i32
    %mul3A_162 = arith.muli %arg1, %mul3A_161 : i32
    %mul3A_163 = arith.constant 640 : i32
    %mul3A_164 = arith.muli %arg1, %mul3A_163 : i32
    %mul3A_165 = arith.constant 64 : i32
    %mul3A_166 = arith.muli %arg0, %mul3A_165 : i32
    "tpu.region"() ({
      %run_scoped3A = tpu.sem_alloc : memref<!tpu.dma_semaphore, #tpu.memory_space<semaphore_mem>>
      %dma_start3A_167 = tpu.memref_slice %arg7[%mul3A_164, %mul3A_166] : memref<10240x128xf32, #tpu.memory_space<hbm>> -> memref<640x64xf32, #tpu.memory_space<hbm>>
      %dma_start3A_168 = arith.constant 0 : i32
      %dma_start3A_169 = tpu.memref_slice %arg16[%mul3A_162, %dma_start3A_168] : memref<10240x64xf32, #tpu.memory_space<vmem_shared>> -> memref<640x64xf32, #tpu.memory_space<vmem_shared>>
      tpu.enqueue_dma source(%dma_start3A_169 : memref<640x64xf32, #tpu.memory_space<vmem_shared>>) target(%dma_start3A_167 : memref<640x64xf32, #tpu.memory_space<hbm>>) target_semaphore(%run_scoped3A : memref<!tpu.dma_semaphore, #tpu.memory_space<semaphore_mem>>)
      %dma_wait3A_170 = tpu.memref_slice %arg7[%mul3A_164, %mul3A_166] : memref<10240x128xf32, #tpu.memory_space<hbm>> -> memref<640x64xf32, #tpu.memory_space<hbm>>
      %dma_wait3A_171 = arith.constant 0 : i32
      %dma_wait3A_172 = tpu.memref_slice %arg16[%mul3A_162, %dma_wait3A_171] : memref<10240x64xf32, #tpu.memory_space<vmem_shared>> -> memref<640x64xf32, #tpu.memory_space<vmem_shared>>
      tpu.wait_dma2 semaphore(%run_scoped3A : memref<!tpu.dma_semaphore, #tpu.memory_space<semaphore_mem>>) src(%dma_wait3A_172 : memref<640x64xf32, #tpu.memory_space<vmem_shared>>) dst(%dma_wait3A_170 : memref<640x64xf32, #tpu.memory_space<hbm>>)
      tpu.yield
    }) : () -> ()
    return
  }
}

module attributes {stable_mosaic.version = 14 : i64} {
  func.func @_tc_body(%arg0: memref<10000x128xf32, #tpu.memory_space<vmem>>, %arg1: memref<10240x128xf32, #tpu.memory_space<vmem>>, %arg2: memref<128x128xf32, #tpu.memory_space<vmem>>, %arg3: memref<128xf32, #tpu.memory_space<vmem>>, %arg4: memref<1xf32, #tpu.memory_space<smem>>, %arg5: memref<128xf32, #tpu.memory_space<vmem>>, %arg6: memref<128xf32, #tpu.memory_space<vmem>>, %arg7: memref<10000x128xf32, #tpu.memory_space<vmem>>) attributes {dimension_semantics = [], scalar_prefetch = 0 : i64, scratch_operands = 0 : i64, tpu.core_type = #tpu.core_type<tc>} {
    %get3A = arith.constant 0 : index
    %get3A_0 = arith.constant 0 : index
    %get3A_1 = vector.load %arg0[%get3A, %get3A_0] : memref<10000x128xf32, #tpu.memory_space<vmem>>, vector<10000x128xf32>
    %get3A_2 = arith.constant 0 : index
    %get3A_3 = memref.load %arg4[%get3A_2] : memref<1xf32, #tpu.memory_space<smem>>
    %add3A = arith.constant 1.000000e+00 : f32
    %add3A_4 = arith.addf %add3A, %get3A_3 : f32
    %mul3A = vector.broadcast %add3A_4 : f32 to vector<10000x128xf32>
    %mul3A_5 = arith.mulf %mul3A, %get3A_1 : vector<10000x128xf32>
    %get3A_6 = arith.constant 0 : index
    %get3A_7 = arith.constant 0 : index
    %get3A_8 = vector.load %arg1[%get3A_6, %get3A_7] : memref<10240x128xf32, #tpu.memory_space<vmem>>, vector<10000x128xf32>
    %add3A_9 = arith.addf %mul3A_5, %get3A_8 : vector<10000x128xf32>
    %get3A_10 = arith.constant 0 : index
    %get3A_11 = arith.constant 0 : index
    %get3A_12 = vector.load %arg2[%get3A_10, %get3A_11] : memref<128x128xf32, #tpu.memory_space<vmem>>, vector<128x128xf32>
    %dot_general3A = arith.constant dense<0.000000e+00> : vector<10000x128xf32>
    %dot_general3A_13 = tpu.matmul %add3A_9, %get3A_12, %dot_general3A {dimension_numbers = #tpu.dot_dimension_numbers<[1], [1], [0], [0], [0, 0, 1, 0], [], []>, transpose_lhs_hint = false} : vector<10000x128xf32>, vector<128x128xf32>, vector<10000x128xf32> -> vector<10000x128xf32>
    %get3A_14 = arith.constant 0 : index
    %get3A_15 = vector.load %arg3[%get3A_14] : memref<128xf32, #tpu.memory_space<vmem>>, vector<128xf32>
    %broadcast_in_dim3A = vector.shape_cast %get3A_15 : vector<128xf32> to vector<1x128xf32>
    %add3A_16 = vector.broadcast %broadcast_in_dim3A : vector<1x128xf32> to vector<10000x128xf32>
    %add3A_17 = arith.addf %dot_general3A_13, %add3A_16 : vector<10000x128xf32>
    %reduce_sum3A = arith.constant dense<0.000000e+00> : vector<128xf32>
    %reduce_sum3A_18 = vector.multi_reduction <add>, %add3A_17, %reduce_sum3A [0] : vector<10000x128xf32> to vector<128xf32>
    %broadcast_in_dim3A_19 = vector.shape_cast %reduce_sum3A_18 : vector<128xf32> to vector<1x128xf32>
    %div3A = arith.constant 1.000000e+04 : f32
    %div3A_20 = vector.broadcast %div3A : f32 to vector<1x128xf32>
    %div3A_21 = arith.divf %broadcast_in_dim3A_19, %div3A_20 : vector<1x128xf32>
    %sub3A = vector.broadcast %div3A_21 : vector<1x128xf32> to vector<10000x128xf32>
    %sub3A_22 = arith.subf %add3A_17, %sub3A : vector<10000x128xf32>
    %integer_pow3A = arith.mulf %sub3A_22, %sub3A_22 : vector<10000x128xf32>
    %reduce_sum3A_23 = arith.constant dense<0.000000e+00> : vector<128xf32>
    %reduce_sum3A_24 = vector.multi_reduction <add>, %integer_pow3A, %reduce_sum3A_23 [0] : vector<10000x128xf32> to vector<128xf32>
    %broadcast_in_dim3A_25 = vector.shape_cast %reduce_sum3A_24 : vector<128xf32> to vector<1x128xf32>
    %div3A_26 = arith.constant 1.000000e+04 : f32
    %div3A_27 = vector.broadcast %div3A_26 : f32 to vector<1x128xf32>
    %div3A_28 = arith.divf %broadcast_in_dim3A_25, %div3A_27 : vector<1x128xf32>
    %sub3A_29 = vector.broadcast %div3A_21 : vector<1x128xf32> to vector<10000x128xf32>
    %sub3A_30 = arith.subf %add3A_17, %sub3A_29 : vector<10000x128xf32>
    %add3A_31 = arith.constant 9.99999974E-6 : f32
    %add3A_32 = vector.broadcast %add3A_31 : f32 to vector<1x128xf32>
    %add3A_33 = arith.addf %div3A_28, %add3A_32 : vector<1x128xf32>
    %rsqrt3A = math.rsqrt %add3A_33 : vector<1x128xf32>
    %mul3A_34 = vector.broadcast %rsqrt3A : vector<1x128xf32> to vector<10000x128xf32>
    %mul3A_35 = arith.mulf %sub3A_30, %mul3A_34 : vector<10000x128xf32>
    %get3A_36 = arith.constant 0 : index
    %get3A_37 = vector.load %arg5[%get3A_36] : memref<128xf32, #tpu.memory_space<vmem>>, vector<128xf32>
    %broadcast_in_dim3A_38 = vector.shape_cast %get3A_37 : vector<128xf32> to vector<1x128xf32>
    %mul3A_39 = vector.broadcast %broadcast_in_dim3A_38 : vector<1x128xf32> to vector<10000x128xf32>
    %mul3A_40 = arith.mulf %mul3A_35, %mul3A_39 : vector<10000x128xf32>
    %get3A_41 = arith.constant 0 : index
    %get3A_42 = vector.load %arg6[%get3A_41] : memref<128xf32, #tpu.memory_space<vmem>>, vector<128xf32>
    %broadcast_in_dim3A_43 = vector.shape_cast %get3A_42 : vector<128xf32> to vector<1x128xf32>
    %add3A_44 = vector.broadcast %broadcast_in_dim3A_43 : vector<1x128xf32> to vector<10000x128xf32>
    %add3A_45 = arith.addf %mul3A_40, %add3A_44 : vector<10000x128xf32>
    %max3A = arith.constant 0.000000e+00 : f32
    %max3A_46 = vector.broadcast %max3A : f32 to vector<10000x128xf32>
    %max3A_47 = arith.maximumf %add3A_45, %max3A_46 : vector<10000x128xf32>
    %add3A_48 = arith.addf %max3A_47, %get3A_1 : vector<10000x128xf32>
    %swap3A = arith.constant 0 : index
    %swap3A_49 = arith.constant 0 : index
    %swap3A_50 = vector.load %arg7[%swap3A, %swap3A_49] : memref<10000x128xf32, #tpu.memory_space<vmem>>, vector<10000x128xf32>
    tpu.vector_store %arg7[%swap3A, %swap3A_49], %add3A_48 {strides = array<i32>} : memref<10000x128xf32, #tpu.memory_space<vmem>>, vector<10000x128xf32>,
    return
  }
}

</mosaic_0001>

<sc_bundles>
// kernel: kernel.4.cloned.1.call-start
scs
__scs_entry_jumppad:
0x0: {  	(pc) =	sbr.rel $0x88, $3  }
0x1: {  	(tag) =	ssettag $0x0;
	lr =	simm.s32 $0x1  }
0x2: {  	[smem:$0x3F9A] =	sst lr;
	_ =	strace $0xD0000000  }
0x3: {  	_ = 	snop  }
0x4: {  	_ = 	snop  }
0x5: {  	_ = 	snop  }
0x6: {  	_ = 	snop  }
0x7: {  	_ = 	snop  }
__scs_overlays_trampoline_lowered:
0x8: {  	[smem:$0x3FA9] =	sst s0  }
0x9: {  	[smem:$0x3FAA] =	sst s1  }
0xa: {  	[smem:$0x3FAB] =	sst s2  }
0xb: {  	[smem:$0x3FAC] =	sst s3  }
0xc: {  	[smem:$0x3FAD] =	sst s4  }
0xd: {  	[smem:$0x3FAE] =	sst s5  }
0xe: {  	[smem:$0x3FAF] =	sst s6  }
0xf: {  	[smem:$0x3FB0] =	sst s7  }
0x10: {  	[smem:$0x3FB1] =	sst s8  }
0x11: {  	[smem:$0x3FB2] =	sst s9;
	s0 =	simm.s32 @!p0 $0x0  }
0x12: {  	s1 =	sld [smem:$0x3F98];
	s0 =	simm.s32 @p0 $0x1  }
0x13: {  	[smem:$0x3FB3] =	sst s0;
	s0 =	simm.s32 @!p1 $0x0  }
0x14: {  	s2 =	sld [smem:$0x3F97];
	s0 =	simm.s32 @p1 $0x1  }
0x15: {  	[smem:$0x3FB4] =	sst s0;
	s0 =	simm.s32 @!p2 $0x0  }
0x16: {  	s3 =	sld [smem:$0x3FDB];
	s0 =	simm.s32 @p2 $0x1  }
0x17: {  	s4 =	simm.s32 $0x1BF5;
	[smem:$0x3FB6] =	sst s0  }
0x18: {  	s0 =	sld [smem:$0x3F99];
	_ =	swait.ge [sflag:s4], $0x0  }
0x19: {  	s7 =	sld [smem:$0x3F9A]  }
0x1a: {  	s8 =	sadd.s32 $0xFFFFE003, lr  }
0x1b: {  	s9 =	sadd.s32 $0xFFFFFEF7, lr;
	s5 =	simm.s32 $0xFFFFFFFF;
	p2 =	slt.u32 s8, $0xFFFFF086  }
0x1c: {  	p1 =	slt.u32 s9, $0xF7A;
	s5 =	simm.s32 @!p2 $0x0  }
0x1d: {  	s5 =	simm.s32 @p1 $0x1;
	p0 =	seq.s32 s7, s2  }
0x1e: {  	s7 =	smul.u32 @!p0 $0xF7A, s2;
	p2 =	seq.s32 @!p0 s5, $0x0  }
0x1f: {  	s9 =	smul.u32 $0xF7A, s1;
	s8 =	simm.s32 @!p0 $0x1BF5;
	p2 =	por !p2, p0  }
0x20: {  	[sflag:s8] =	ssyncset.s32 @!p0 $0xFFFFF086;
	s6 =	sadd.s32 @!p0 s3, s7;
	s7 =	simm.s32 @!p0 $0x108  }
0x21: {  	s3 =	sadd.s32 s3, s9;
	s6 =	sadd.s32 @!p0 $0x88, s6;
	s7 =	simm.s32 @p2 $0x1082  }
0x22: {  	[simem:s7], [sflag:s8] =	dma.local @!p0 [hbm:s6], $0xF7A  }
0x23: {  	s9 =	sor.u32 $0xD0000000, s2;
	s6 =	simm.s32 $0x108;
	_ =	swait.ge @!p0 [sflag:s8], $0x0  }
0x24: {  	s3 =	sadd.s32 $0x88, s3;
	s6 =	simm.s32 @!p1 $0x1082;
	[sflag:s4] =	ssyncset.s32 $0xFFFFF086  }
0x25: {  	[simem:s6], [sflag:s4] =	dma.local [hbm:s3], $0xF7A  }
0x26: {  	[smem:$0x3F9A] =	sst s1;
	(tag) =	ssettag s2;
	_ =	strace s9  }
0x27: {  	s1 =	sld [smem:$0x3FAA]  }
0x28: {  	s2 =	sld [smem:$0x3FAB]  }
0x29: {  	s4 =	sld [smem:$0x3FAD]  }
0x2a: {  	p0 =	seq.s32 s5, $0x0;
	s5 =	sld [smem:$0x3FAE]  }
0x2b: {  	s6 =	sld [smem:$0x3FAF]  }
0x2c: {  	s7 =	sld [smem:$0x3FB0]  }
0x2d: {  	s3 =	simm.s32 $0x108;
	s8 =	sld [smem:$0x3FB1]  }
0x2e: {  	s3 =	simm.s32 @!p0 $0x1082;
	s9 =	sld [smem:$0x3FB2]  }
0x2f: {  	lr =	sadd.s32 s0, s3;
	s0 =	sld [smem:$0x3FA9]  }
0x30: {  	s3 =	sld [smem:$0x3FAC]  }
0x31: {  	[smem:$0x3FB5] =	sst s10  }
0x32: {  	s10 =	sld [smem:$0x3FB3];
	_ =	sdelay $0x3  }
0x33: {  	p0 =	seq.s32 s10, $0x1;
	s10 =	sld [smem:$0x3FB5];
	_ =	sdelay $0x3  }
0x34: {  	[smem:$0x3FB5] =	sst s10  }
0x35: {  	s10 =	sld [smem:$0x3FB4];
	_ =	sdelay $0x3  }
0x36: {  	p1 =	seq.s32 s10, $0x1;
	s10 =	sld [smem:$0x3FB5];
	_ =	sdelay $0x3  }
0x37: {  	[smem:$0x3FB5] =	sst s10  }
0x38: {  	s10 =	sld [smem:$0x3FB6]  }
0x39: {  	_ = 	snop;
	(pc) =	sbr.ind lr, $3  }
0x3a: {  	_ = 	snop  }
0x3b: {  	_ = 	snop  }
0x3c: {  	p2 =	seq.s32 s10, $0x1;
	s10 =	sld [smem:$0x3FB5]  }
0x3d: {  	_ =	shalt  }
0x3e: {  	_ =	shalt  }
0x3f: {  	_ =	shalt  }
0x40: {  	_ =	shalt  }
0x41: {  	_ =	shalt  }
0x42: {  	_ =	shalt  }
0x43: {  	_ =	shalt  }
0x44: {  	_ =	shalt  }
0x45: {  	_ =	shalt  }
0x46: {  	_ =	shalt  }
0x47: {  	_ =	shalt  }
0x48: {  	_ =	shalt  }
0x49: {  	_ =	shalt  }
0x4a: {  	_ =	shalt  }
0x4b: {  	_ =	shalt  }
0x4c: {  	_ =	shalt  }
0x4d: {  	_ =	shalt  }
0x4e: {  	_ =	shalt  }
0x4f: {  	_ =	shalt  }
0x50: {  	_ =	shalt  }
0x51: {  	_ =	shalt  }
0x52: {  	_ =	shalt  }
0x53: {  	_ =	shalt  }
0x54: {  	_ =	shalt  }
0x55: {  	_ =	shalt  }
0x56: {  	_ =	shalt  }
0x57: {  	_ =	shalt  }
0x58: {  	_ =	shalt  }
0x59: {  	_ =	shalt  }
0x5a: {  	_ =	shalt  }
0x5b: {  	_ =	shalt  }
0x5c: {  	_ =	shalt  }
0x5d: {  	_ =	shalt  }
0x5e: {  	_ =	shalt  }
0x5f: {  	_ =	shalt  }
0x60: {  	_ =	shalt  }
0x61: {  	_ =	shalt  }
0x62: {  	_ =	shalt  }
0x63: {  	_ =	shalt  }
0x64: {  	_ =	shalt  }
0x65: {  	_ =	shalt  }
0x66: {  	_ =	shalt  }
0x67: {  	_ =	shalt  }
0x68: {  	_ =	shalt  }
0x69: {  	_ =	shalt  }
0x6a: {  	_ =	shalt  }
0x6b: {  	_ =	shalt  }
0x6c: {  	_ =	shalt  }
0x6d: {  	_ =	shalt  }
0x6e: {  	_ =	shalt  }
0x6f: {  	_ =	shalt  }
0x70: {  	_ =	shalt  }
0x71: {  	_ =	shalt  }
0x72: {  	_ =	shalt  }
0x73: {  	_ =	shalt  }
0x74: {  	_ =	shalt  }
0x75: {  	_ =	shalt  }
0x76: {  	_ =	shalt  }
0x77: {  	_ =	shalt  }
0x78: {  	_ =	shalt  }
0x79: {  	_ =	shalt  }
0x7a: {  	_ =	shalt  }
0x7b: {  	_ =	shalt  }
0x7c: {  	_ =	shalt  }
0x7d: {  	_ =	shalt  }
0x7e: {  	_ =	shalt  }
0x7f: {  	_ =	shalt  }
0x80: {  	_ =	shalt  }
0x81: {  	_ =	shalt  }
0x82: {  	_ =	shalt  }
0x83: {  	_ =	shalt  }
0x84: {  	_ =	shalt  }
0x85: {  	_ =	shalt  }
0x86: {  	_ =	shalt  }
0x87: {  	_ =	shalt  }
.Lfunc_end0:
.L_simem_size_0:
called_computation_lowered:
.L_overlay_start_0:
0x88: {  	s2 =	sld [smem:$0x3FD9]  }
0x89: {  	s3 =	sld [smem:$0x3FFE];
	_ =	sdelay $0x1  }
0x8a: {  	s1 =	srdreg.scid  }
0x8b: {  	s0 =	sand.u32 $0x1, s1  }
0x8c: {  	s17 =	sshll.u32 s0, $0xA;
	s2 =	sadd.s32 s3, s2  }
0x8d: {  	s2 =	sadd.s32 s2, s17  }
0x8e: {  	[smem:$0x3FC1] =	sst s2  }
0x8f: {  	_ = 	snop  }
0x90: {  	s2 =	sld [smem:$0x3FC9]  }
0x91: {  	s18 =	sld [smem:$0x3FD0];
	(tm) =	ssettm $0x1  }
0x92: {  	s4 =	sld [smem:$0x3FFB];
	_ =	sdelay $0x3  }
0x93: {  	_ =	strace s4  }
0x94: {  	s4 =	sld [smem:$0x3FFC];
	_ =	sdelay $0x3  }
0x95: {  	_ =	strace s4  }
0x96: {  	s4 =	sld [smem:$0x3FFD];
	_ =	sdelay $0x3  }
0x97: {  	_ =	strace s4  }
0x98: {  	_ =	strace $0x8FFFFFFF  }
0x99: {  	s19 =	sld [smem:$0x3FDB];
	_ =	sdelay $0x1  }
0x9a: {  	s5 =	simm.s32 $_scs_section_size  }
0x9b: {  	s6 =	simm.s32 $_size__tile_overlayer_lowered;
	s7 =	simm.s32 $_tile_overlayer_lowered  }
0x9c: {  	s22 =	simm.s32 $0x1BFF;
	s21 =	sshll.u32 s7, $0x1;
	s4 =	sadd.s32 s5, s19  }
0x9d: {  	s8 =	simm.s32 $0x0;
	s20 =	sshll.u32 s6, $0x1;
	s6 =	sadd.s32 s21, s4  }
0x9e: {  	[timem:s8], [sflag:s22] =	dma.local [hbm:s6], s20  }
0x9f: {  	_ =	swait.ge [sflag:s22], s20  }
0xa0: {  	s5 =	ssub.s32 $0x0, s20;
	[sflag:s22] =	ssyncset.done $0x0  }
0xa1: {  	[sflag:s22] =	ssyncadd.s32 s5;
	_ =	sdelay $0x1  }
0xa2: {  	s23 =	simm.s32 $0x1B8B  }
0xa3: {  	_ =	swait.ge [sflag:s23], $0x1  }
0xa4: {  	[sflag:s23] =	ssyncset.done $0x0  }
0xa5: {  	s25 =	simm.s32 $0x1B8E;
	s24 =	sld [smem:$0x3FFE];
	[sflag:s23] =	ssyncadd.s32 $0xFFFFFFFF  }
0xa6: {  	s26 =	simm.s32 $execute0_lowered;
	[smem:$0x3FD2] =	sst s25  }
0xa7: {  	s6 =	sshll.u32 s26, $0x1;
	_ =	strace $0x80000046;
	[dreg:$0x1] =	wrdreg $0xFFFFFFFF  }
0xa8: {  	s28 =	simm.s32 $_size_execute0_lowered;
	s4 =	sadd.s32 s4, s6;
	[dreg:$0x0] =	wrdreg $0x0  }
0xa9: {  	s6 =	sshll.u32 s28, $0x1;
	[dreg:$0x2] =	wrdreg s4  }
0xaa: {  	[dreg:$0x3] =	wrdreg s6  }
0xab: {  	[dreg:$0x4] =	wrdreg $0xC0  }
0xac: {  	_ =	task [dreg:s8], $0x5FFFF  }
0xad: {  	[dreg:$0x1] =	wrdreg $0xFFFFFFFF  }
0xae: {  	[dreg:$0x0] =	wrdreg $0x60  }
0xaf: {  	[dreg:$0x2] =	wrdreg s2  }
0xb0: {  	[dreg:$0x3] =	wrdreg s24  }
0xb1: {  	[dreg:$0x4] =	wrdreg s18  }
0xb2: {  	[dreg:$0x5] =	wrdreg $0x15D000  }
0xb3: {  	[dreg:$0x6] =	wrdreg $0x9  }
0xb4: {  	_ =	task.clear_ibuf [dreg:s8], $0x7FFFF;
	_ =	strace $0x90000046  }
0xb5: {  	s29 =	simm.s32 $0x9;
	_ =	strace $0x80000048  }
0xb6: {  	_ =	swait.ge [sflag:s29], $0x1  }
0xb7: {  	[sflag:s29] =	ssyncadd.s32 $0xFFFFFFFF  }
0xb8: {  	_ =	strace $0x90000048  }
0xb9: {  	_ =	sfence  }
0xba: {  	s30 =	sld [smem:$0x0];
	_ =	sdelay $0x2  }
0xbb: {  	s31 =	sshll.u32 s1, $0xD;
	s1 =	sshrl.u32 s1, $0x2  }
0xbc: {  	s3 =	sand.u32 $0x4000, s31;
	s1 =	sadd.s32 s1, s30  }
0xbd: {  	s0 =	sor.u32 s3, s0;
	s1 =	sshll.u32 s1, $0x11  }
0xbe: {  	s0 =	sor.u32 s1, s0  }
0xbf: {  	s0 =	sadd.s32 $0x8F2B, s0  }
0xc0: {  	[sflag:s0] =	ssyncadd.remote.s32 $0x1  }
0xc1: {  	_ =	sfence.sel $0xFFFF  }
0xc2: {  	[dreg:$0x0] =	wrdreg $0xFFFFFFFF;
	(pc) =	sbr.abs _section_cstart, $3  }
0xc3: {  	[dreg:$0x1] =	wrdreg $0xFFFFFFFF  }
0xc4: {  	_ =	task.clear_ibuf [dreg:s8], $0x2FFFF;
	_ =	strace $0x9FFFFFFF  }
0xc5: {  	(tm) =	ssettm $0x7FFFFFFF  }
tec
execute0_lowered:
.L_overlay_start_1:
0x0: {  	(tag) =	ssettag $0x1  }
0x1: {  	s1 =	rddreg [dreg:$0x0]  }
0x2: {  	s0 =	rddreg [dreg:$0x1]  }
0x3: {  	s2 =	rddreg [dreg:$0x2]  }
0x4: {  	s3 =	rddreg [dreg:$0x3];
	s4 =	simm.s32 $0x0;
	s5 =	srdreg.scid  }
0x5: {  	s17 =	stileid.u32;
	s29 =	simm.s32 $0x11D00;
	s31 =	simm.s32 $0x13D00  }
0x6: {  	s28 =	simm.s32 $0x9;
	s30 =	simm.s32 $0xA;
	[smem:$0x7FF] =	sst s4  }
0x7: {  	s5 =	sand.u32 $0x1, s5;
	s6 =	smul.u32 $0x14000, s17;
	s7 =	sadd.s32 $0x1000, s0  }
0x8: {  	s9 =	sadd.s32 $0xAE00, s0;
	s11 =	smul.u32 $0x28000, s17;
	s12 =	sadd.s32 $0x14C00, s0  }
0x9: {  	s18 =	sshll.u32 s17, $0x6;
	s19 =	smul.u32 $0x9C0, s17;
	s24 =	sshll.u32 s17, $0x4  }
0xa: {  	p2 =	slt.u32 s17, $0x4;
	p4 =	sgt.u32 s17, $0x3;
	s17 =	simm.s32 $0x5  }
0xb: {  	_ =	strace $0x80000047;
	s8 =	sshll.u32 s5, $0x6;
	s15 =	ssub.s32 $0x2, s5  }
0xc: {  	[dreg:$0x5] =	wrdreg s12;
	p1 =	seq.s32 s5, $0x0;
	p0 =	seq.s32 s5, $0x1  }
0xd: {  	s25 =	sor.u32 $0x9C00, s24;
	p3 =	sne.s32 s5, $0x0;
	s24 =	simm.s32 $0xDD00  }
0xe: {  	s12 =	simm.s32 $0xB;
	s5 =	simm.s32 $0xC;
	s6 =	sor.u32 s8, s6  }
0xf: {  	s10 =	sshrl.u32 s15, $0x1;
	s16 =	sshrl.u32 s11, $0x2;
	s21 =	sadd.s32 s7, s19  }
0x10: {  	s22 =	sadd.s32 s9, s19;
	s23 =	sadd.s32 s2, s19;
	p1 =	por !p2, !p1  }
0x11: {  	p2 =	por !p2, !p0;
	s7 =	sadd.s32 s7, s25;
	[dreg:$0x6] =	wrdreg s21  }
0x12: {  	s26 =	sadd.s32 s9, s25;
	s2 =	sadd.s32 s2, s25;
	[dreg:$0x7] =	wrdreg s22  }
0x13: {  	s19 =	simm.s32 $0x4;
	s11 =	simm.s32 $0x6;
	[dreg:$0x8] =	wrdreg s23  }
0x14: {  	s25 =	simm.s32 $0x8;
	s6 =	sshrl.u32 s6, $0x3;
	[dreg:$0x9] =	wrdreg s7  }
0x15: {  	s8 =	ssub.s32 s15, s10;
	s20 =	sadd.s32 s16, s3;
	[dreg:$0xa] =	wrdreg s26  }
0x16: {  	p1 =	por !p1, !p1;
	p2 =	por !p2, !p2;
	[dreg:$0xb] =	wrdreg s2  }
0x17: {  	s16 =	simm.s32 $0xD;
	s21 =	simm.s32 $0x9D00;
	s22 =	simm.s32 $0xBD00  }
0x18: {  	s26 =	simm.s32 $0xFD00;
	s2 =	simm.s32 $0x2;
	s23 =	simm.s32 $0x7  }
0x19: {  	s7 =	simm.s32 $0x0;
	s0 =	sadd.s32 s6, s0;
	s6 =	sor.u32 $0x1C0D, s18  }
0x1a: {  	s14 =	smax.u32 s8, $0x1;
	s15 =	sshrl.u32 s20, $0x3;
	s20 =	simm.s32 $0x80  }
0x1b: {  	s18 =	simm.s32 $0x3;
	s13 =	sadd.s32 $0x16000, s0;
	s0 =	simm.s32 $0x1  }
.LBB2_1:
0x1c: {  	s8 =	rddreg [dreg:$0x5]  }
0x1d: {  	[spmem:s15], [sflag:s6] =	dma.local [hbm:s8], $0x1400  }
0x1e: {  	_ =	swait.ge [sflag:s16], $0x1400  }
0x1f: {  	[sflag:s16] =	ssyncset.done $0x0  }
0x20: {  	s8 =	simm.s32 @!p3 $0x0;
	s9 =	rddreg [dreg:$0x6];
	[sflag:s16] =	ssyncadd.s32 $0xFFFFEC00  }
0x21: {  	[tilespmem:s8], [sflag:$0xD] =	stream.linear.gather @!p3 [hbm4b:s9+s8], $0x4E00, $0x38;
	[tilespmem:$0x1FD00] =	vst v63  }
0x22: {  	s8 =	simm.s32 @!p3 $0xD  }
0x23: {  	_ =	swait.ge @!p3 [sflag:s8], $0x4E00  }
0x24: {  	[sflag:s8] =	ssyncset.done @!p3 $0x0  }
0x25: {  	s9 =	rddreg [dreg:$0x7];
	[sflag:s8] =	ssyncadd.s32 @!p3 $0xFFFFB200;
	s8 =	simm.s32 @p0 $0x0  }
0x26: {  	[tilespmem:s8], [sflag:$0xD] =	stream.linear.gather @p0 [hbm4b:s9+s8], $0x4E00, $0x38;
	[tilespmem:$0x1FD00] =	vst v63  }
0x27: {  	s8 =	simm.s32 @p0 $0xD  }
0x28: {  	_ =	swait.ge @p0 [sflag:s8], $0x4E00  }
0x29: {  	[sflag:s8] =	ssyncset.done @p0 $0x0  }
0x2a: {  	s10 =	simm.s32 $0x4E80;
	s9 =	rddreg [dreg:$0x8];
	[sflag:s8] =	ssyncadd.s32 @p0 $0xFFFFB200  }
0x2b: {  	[tilespmem:s10], [sflag:$0xD] =	stream.linear.gather [hbm4b:s9+s4], $0x4E00, $0x38;
	[tilespmem:$0x1FD00] =	vst v63  }
0x2c: {  	_ =	swait.ge [sflag:s16], $0x4E00  }
0x2d: {  	s8 =	simm.s32 @p1 $0x0;
	[sflag:s16] =	ssyncset.done $0x0  }
0x2e: {  	s9 =	simm.s32 @p1 $0x4E00;
	s10 =	rddreg [dreg:$0x9];
	[sflag:s16] =	ssyncadd.s32 $0xFFFFB200  }
0x2f: {  	[tilespmem:s9], [sflag:$0xD] =	stream.linear.gather @p1 [hbm4b:s10+s8], $0x80, $0x38;
	[tilespmem:$0x1FD00] =	vst v63  }
.Ltmp0:
0x30: {  	_ = 	snop;
	(pc) =	sbr.rel @!p2 .LBB2_3-.Ltmp0, $4  }
0x31: {  	s8 =	simm.s32 @p1 $0xD  }
0x32: {  	_ =	swait.ge @p1 [sflag:s8], $0x80  }
0x33: {  	[sflag:s8] =	ssyncset.done @p1 $0x0  }
0x34: {  	[sflag:s8] =	ssyncadd.s32 @p1 $0xFFFFFF80  }
.Ltmp1:
0x35: {  	s8 =	rddreg [dreg:$0xa];
	s9 =	simm.s32 $0x4E00;
	(pc) =	sbr.rel .LBB2_4-.Ltmp1, $4  }
0x36: {  	[tilespmem:s9], [sflag:$0xD] =	stream.linear.gather [hbm4b:s8+s4], $0x80, $0x38;
	[tilespmem:$0x1FD00] =	vst v63  }
0x37: {  	_ =	swait.ge [sflag:s16], $0x80  }
0x38: {  	[sflag:s16] =	ssyncset.done $0x0  }
0x39: {  	[sflag:s16] =	ssyncadd.s32 $0xFFFFFF80  }
.LBB2_3:
.Ltmp2:
0x3a: {  	(pc) =	sbr.rel @p4 .LBB2_5-.Ltmp2, $1  }
0x3b: {  	_ =	sdelay $0x3  }
.LBB2_4:
0x3c: {  	s8 =	rddreg [dreg:$0xb];
	s9 =	simm.s32 $0x9C80  }
0x3d: {  	[tilespmem:s9], [sflag:$0xD] =	stream.linear.gather [hbm4b:s8+s4], $0x80, $0x38;
	[tilespmem:$0x1FD00] =	vst v63  }
0x3e: {  	_ =	swait.ge [sflag:s16], $0x80  }
0x3f: {  	[sflag:s16] =	ssyncset.done $0x0  }
0x40: {  	[sflag:s16] =	ssyncadd.s32 $0xFFFFFF80  }
.LBB2_5:
0x41: {  	[bflag:$0x0] =	sbarrier.arrive $0xFFFF;
	s8 =	simm.s32 $0x0  }
0x42: {  	[tilespmem:s21], [sflag:$0x1] =	stream.indirect.gather [hbm4b:s1+s20], $0x40, s8, s20, $0xb8;
	[tilespmem:$0x1FD00] =	vst v63  }
0x43: {  	_ = 	snop  }
0x44: {  	[tilespmem:s22], [sflag:$0x2] =	stream.indirect.gather [hbm4b:s1+s20], $0x40, s20, s20, $0xb8;
	[tilespmem:$0x1FD00] =	vst v63  }
0x45: {  	s10 =	simm.s32 $0x100  }
0x46: {  	[tilespmem:s24], [sflag:$0x3] =	stream.indirect.gather [hbm4b:s1+s20], $0x40, s10, s20, $0xb8;
	[tilespmem:$0x1FD00] =	vst v63  }
0x47: {  	s9 =	simm.s32 $0x180  }
0x48: {  	[tilespmem:s26], [sflag:$0x4] =	stream.indirect.gather [hbm4b:s1+s20], $0x40, s9, s20, $0xb8;
	[tilespmem:$0x1FD00] =	vst v63  }
0x49: {  	s10 =	simm.s32 $0x200  }
0x4a: {  	[tilespmem:s29], [sflag:$0x5] =	stream.indirect.gather [hbm4b:s1+s20], $0x40, s10, s20, $0xb8;
	[tilespmem:$0x1FD00] =	vst v63  }
0x4b: {  	s9 =	simm.s32 $0x280  }
0x4c: {  	[tilespmem:s31], [sflag:$0x6] =	stream.indirect.gather [hbm4b:s1+s20], $0x40, s9, s20, $0xb8;
	[tilespmem:$0x1FD00] =	vst v63  }
0x4d: {  	_ =	swait.ge [sflag:s0], $0x2000  }
0x4e: {  	[sflag:s0] =	ssyncset.done $0x0  }
0x4f: {  	s10 =	simm.s32 $0x4E80;
	[sflag:s0] =	ssyncadd.s32 $0xFFFFE000  }
0x50: {  	[spmem:s3] =	stream.indirect.scatter.add.f32 [tilespmem:s21], [sflag:$0x7], $0x40, s10, s20, $0xb8;
	[tilespmem:$0x1FD00] =	vst v63  }
0x51: {  	_ =	swait.ge [sflag:s2], $0x2000  }
0x52: {  	[sflag:s2] =	ssyncset.done $0x0  }
0x53: {  	s9 =	simm.s32 $0x4F00;
	[sflag:s2] =	ssyncadd.s32 $0xFFFFE000  }
0x54: {  	[spmem:s3] =	stream.indirect.scatter.add.f32 [tilespmem:s22], [sflag:$0x8], $0x40, s9, s20, $0xb8;
	[tilespmem:$0x1FD00] =	vst v63  }
0x55: {  	_ =	swait.ge [sflag:s18], $0x2000  }
0x56: {  	[sflag:s18] =	ssyncset.done $0x0  }
0x57: {  	s10 =	simm.s32 $0x4F80;
	[sflag:s18] =	ssyncadd.s32 $0xFFFFE000  }
0x58: {  	[spmem:s3] =	stream.indirect.scatter.add.f32 [tilespmem:s24], [sflag:$0x9], $0x40, s10, s20, $0xb8;
	[tilespmem:$0x1FD00] =	vst v63  }
0x59: {  	_ =	swait.ge [sflag:s19], $0x2000  }
0x5a: {  	[sflag:s19] =	ssyncset.done $0x0  }
0x5b: {  	s9 =	simm.s32 $0x5000;
	[sflag:s19] =	ssyncadd.s32 $0xFFFFE000  }
0x5c: {  	[spmem:s3] =	stream.indirect.scatter.add.f32 [tilespmem:s26], [sflag:$0xA], $0x40, s9, s20, $0xb8;
	[tilespmem:$0x1FD00] =	vst v63  }
0x5d: {  	_ =	swait.ge [sflag:s17], $0x2000  }
0x5e: {  	[sflag:s17] =	ssyncset.done $0x0  }
0x5f: {  	s10 =	simm.s32 $0x5080;
	[sflag:s17] =	ssyncadd.s32 $0xFFFFE000  }
0x60: {  	[spmem:s3] =	stream.indirect.scatter.add.f32 [tilespmem:s29], [sflag:$0xB], $0x40, s10, s20, $0xb8;
	[tilespmem:$0x1FD00] =	vst v63  }
0x61: {  	_ =	swait.ge [sflag:s11], $0x2000  }
0x62: {  	[sflag:s11] =	ssyncset.done $0x0  }
0x63: {  	s9 =	simm.s32 $0x5100;
	[sflag:s11] =	ssyncadd.s32 $0xFFFFE000  }
0x64: {  	[spmem:s3] =	stream.indirect.scatter.add.f32 [tilespmem:s31], [sflag:$0xC], $0x40, s9, s20, $0xb8;
	[tilespmem:$0x1FD00] =	vst v63  }
0x65: {  	_ =	swait.ge [sflag:s23], $0x2000  }
0x66: {  	[sflag:s23] =	ssyncset.done $0x0  }
0x67: {  	s10 =	simm.s32 $0x300;
	[sflag:s23] =	ssyncadd.s32 $0xFFFFE000  }
0x68: {  	[tilespmem:s21], [sflag:$0x1] =	stream.indirect.gather [hbm4b:s1+s20], $0x40, s10, s20, $0xb8;
	[tilespmem:$0x1FD00] =	vst v63  }
0x69: {  	_ =	swait.ge [sflag:s25], $0x2000  }
0x6a: {  	[sflag:s25] =	ssyncset.done $0x0  }
0x6b: {  	s9 =	simm.s32 $0x380;
	[sflag:s25] =	ssyncadd.s32 $0xFFFFE000  }
0x6c: {  	[tilespmem:s22], [sflag:$0x2] =	stream.indirect.gather [hbm4b:s1+s20], $0x40, s9, s20, $0xb8;
	[tilespmem:$0x1FD00] =	vst v63  }
0x6d: {  	_ =	swait.ge [sflag:s28], $0x2000  }
0x6e: {  	[sflag:s28] =	ssyncset.done $0x0  }
0x6f: {  	s10 =	simm.s32 $0x400;
	[sflag:s28] =	ssyncadd.s32 $0xFFFFE000  }
0x70: {  	[tilespmem:s24], [sflag:$0x3] =	stream.indirect.gather [hbm4b:s1+s20], $0x40, s10, s20, $0xb8;
	[tilespmem:$0x1FD00] =	vst v63  }
0x71: {  	_ =	swait.ge [sflag:s30], $0x2000  }
0x72: {  	[sflag:s30] =	ssyncset.done $0x0  }
0x73: {  	s9 =	simm.s32 $0x480;
	[sflag:s30] =	ssyncadd.s32 $0xFFFFE000  }
0x74: {  	[tilespmem:s26], [sflag:$0x4] =	stream.indirect.gather [hbm4b:s1+s20], $0x40, s9, s20, $0xb8;
	[tilespmem:$0x1FD00] =	vst v63  }
0x75: {  	_ =	swait.ge [sflag:s12], $0x2000  }
0x76: {  	[sflag:s12] =	ssyncset.done $0x0  }
0x77: {  	s10 =	simm.s32 $0x500;
	[sflag:s12] =	ssyncadd.s32 $0xFFFFE000  }
0x78: {  	[tilespmem:s29], [sflag:$0x5] =	stream.indirect.gather [hbm4b:s1+s20], $0x40, s10, s20, $0xb8;
	[tilespmem:$0x1FD00] =	vst v63  }
0x79: {  	_ =	swait.ge [sflag:s5], $0x2000  }
0x7a: {  	[sflag:s5] =	ssyncset.done $0x0  }
0x7b: {  	s8 =	simm.s32 $0xC00;
	s9 =	simm.s32 $0x580;
	[sflag:s5] =	ssyncadd.s32 $0xFFFFE000  }
.LBB2_6:
0x7c: {  	[tilespmem:s31], [sflag:$0x6] =	stream.indirect.gather [hbm4b:s1+s20], $0x40, s9, s20, $0xb8;
	[tilespmem:$0x1FD00] =	vst v63  }
0x7d: {  	s9 =	smov.u32 s8  }
0x7e: {  	p5 =	sne.s32 s8, $0x12000;
	s8 =	sadd.s32 $0xC00, s8;
	_ =	swait.ge [sflag:s0], $0x2000  }
0x7f: {  	s9 =	sshra.s32 s9, $0x2;
	[sflag:s0] =	ssyncset.done $0x0  }
0x80: {  	s10 =	sadd.s32 $0x4E80, s9;
	[sflag:s0] =	ssyncadd.s32 $0xFFFFE000  }
0x81: {  	[spmem:s3] =	stream.indirect.scatter.add.f32 [tilespmem:s21], [sflag:$0x7], $0x40, s10, s20, $0xb8;
	[tilespmem:$0x1FD00] =	vst v63  }
0x82: {  	_ =	swait.ge [sflag:s2], $0x2000  }
0x83: {  	[sflag:s2] =	ssyncset.done $0x0  }
0x84: {  	s10 =	sadd.s32 $0x4F00, s9;
	[sflag:s2] =	ssyncadd.s32 $0xFFFFE000  }
0x85: {  	[spmem:s3] =	stream.indirect.scatter.add.f32 [tilespmem:s22], [sflag:$0x8], $0x40, s10, s20, $0xb8;
	[tilespmem:$0x1FD00] =	vst v63  }
0x86: {  	_ =	swait.ge [sflag:s18], $0x2000  }
0x87: {  	[sflag:s18] =	ssyncset.done $0x0  }
0x88: {  	s10 =	sadd.s32 $0x4F80, s9;
	[sflag:s18] =	ssyncadd.s32 $0xFFFFE000  }
0x89: {  	[spmem:s3] =	stream.indirect.scatter.add.f32 [tilespmem:s24], [sflag:$0x9], $0x40, s10, s20, $0xb8;
	[tilespmem:$0x1FD00] =	vst v63  }
0x8a: {  	_ =	swait.ge [sflag:s19], $0x2000  }
0x8b: {  	[sflag:s19] =	ssyncset.done $0x0  }
0x8c: {  	s10 =	sadd.s32 $0x5000, s9;
	[sflag:s19] =	ssyncadd.s32 $0xFFFFE000  }
0x8d: {  	[spmem:s3] =	stream.indirect.scatter.add.f32 [tilespmem:s26], [sflag:$0xA], $0x40, s10, s20, $0xb8;
	[tilespmem:$0x1FD00] =	vst v63  }
0x8e: {  	_ =	swait.ge [sflag:s17], $0x2000  }
0x8f: {  	[sflag:s17] =	ssyncset.done $0x0  }
0x90: {  	s10 =	sadd.s32 $0x5080, s9;
	[sflag:s17] =	ssyncadd.s32 $0xFFFFE000  }
0x91: {  	[spmem:s3] =	stream.indirect.scatter.add.f32 [tilespmem:s29], [sflag:$0xB], $0x40, s10, s20, $0xb8;
	[tilespmem:$0x1FD00] =	vst v63  }
0x92: {  	_ =	swait.ge [sflag:s11], $0x2000  }
0x93: {  	[sflag:s11] =	ssyncset.done $0x0  }
0x94: {  	s10 =	sadd.s32 $0x5100, s9;
	[sflag:s11] =	ssyncadd.s32 $0xFFFFE000  }
0x95: {  	[spmem:s3] =	stream.indirect.scatter.add.f32 [tilespmem:s31], [sflag:$0xC], $0x40, s10, s20, $0xb8;
	[tilespmem:$0x1FD00] =	vst v63  }
0x96: {  	_ =	swait.ge [sflag:s23], $0x2000  }
0x97: {  	[sflag:s23] =	ssyncset.done $0x0  }
0x98: {  	s10 =	sadd.s32 $0x300, s9;
	[sflag:s23] =	ssyncadd.s32 $0xFFFFE000  }
0x99: {  	[tilespmem:s21], [sflag:$0x1] =	stream.indirect.gather [hbm4b:s1+s20], $0x40, s10, s20, $0xb8;
	[tilespmem:$0x1FD00] =	vst v63  }
0x9a: {  	_ =	swait.ge [sflag:s25], $0x2000  }
0x9b: {  	[sflag:s25] =	ssyncset.done $0x0  }
0x9c: {  	s10 =	sadd.s32 $0x380, s9;
	[sflag:s25] =	ssyncadd.s32 $0xFFFFE000  }
0x9d: {  	[tilespmem:s22], [sflag:$0x2] =	stream.indirect.gather [hbm4b:s1+s20], $0x40, s10, s20, $0xb8;
	[tilespmem:$0x1FD00] =	vst v63  }
0x9e: {  	_ =	swait.ge [sflag:s28], $0x2000  }
0x9f: {  	[sflag:s28] =	ssyncset.done $0x0  }
0xa0: {  	s10 =	sadd.s32 $0x400, s9;
	[sflag:s28] =	ssyncadd.s32 $0xFFFFE000  }
0xa1: {  	[tilespmem:s24], [sflag:$0x3] =	stream.indirect.gather [hbm4b:s1+s20], $0x40, s10, s20, $0xb8;
	[tilespmem:$0x1FD00] =	vst v63  }
0xa2: {  	_ =	swait.ge [sflag:s30], $0x2000  }
0xa3: {  	[sflag:s30] =	ssyncset.done $0x0  }
0xa4: {  	s10 =	sadd.s32 $0x480, s9;
	[sflag:s30] =	ssyncadd.s32 $0xFFFFE000  }
0xa5: {  	[tilespmem:s26], [sflag:$0x4] =	stream.indirect.gather [hbm4b:s1+s20], $0x40, s10, s20, $0xb8;
	[tilespmem:$0x1FD00] =	vst v63  }
0xa6: {  	_ =	swait.ge [sflag:s12], $0x2000  }
0xa7: {  	[sflag:s12] =	ssyncset.done $0x0  }
.Ltmp3:
0xa8: {  	s10 =	sadd.s32 $0x500, s9;
	[sflag:s12] =	ssyncadd.s32 $0xFFFFE000;
	(pc) =	sbr.rel @p5 .LBB2_6-.Ltmp3, $4  }
0xa9: {  	[tilespmem:s29], [sflag:$0x5] =	stream.indirect.gather [hbm4b:s1+s20], $0x40, s10, s20, $0xb8;
	[tilespmem:$0x1FD00] =	vst v63  }
0xaa: {  	_ =	swait.ge [sflag:s5], $0x2000  }
0xab: {  	[sflag:s5] =	ssyncset.done $0x0  }
0xac: {  	s9 =	sadd.s32 $0x580, s9;
	[sflag:s5] =	ssyncadd.s32 $0xFFFFE000  }
0xad: {  	[tilespmem:s31], [sflag:$0x6] =	stream.indirect.gather [hbm4b:s1+s20], $0x40, s9, s20, $0xb8;
	[tilespmem:$0x1FD00] =	vst v63  }
0xae: {  	_ =	swait.ge [sflag:s0], $0x2000  }
0xaf: {  	[sflag:s0] =	ssyncset.done $0x0  }
0xb0: {  	s8 =	simm.s32 $0x9980;
	[sflag:s0] =	ssyncadd.s32 $0xFFFFE000  }
0xb1: {  	[spmem:s3] =	stream.indirect.scatter.add.f32 [tilespmem:s21], [sflag:$0x7], $0x40, s8, s20, $0xb8;
	[tilespmem:$0x1FD00] =	vst v63  }
0xb2: {  	_ =	swait.ge [sflag:s2], $0x2000  }
0xb3: {  	[sflag:s2] =	ssyncset.done $0x0  }
0xb4: {  	s9 =	simm.s32 $0x9A00;
	[sflag:s2] =	ssyncadd.s32 $0xFFFFE000  }
0xb5: {  	[spmem:s3] =	stream.indirect.scatter.add.f32 [tilespmem:s22], [sflag:$0x8], $0x40, s9, s20, $0xb8;
	[tilespmem:$0x1FD00] =	vst v63  }
0xb6: {  	_ =	swait.ge [sflag:s18], $0x2000  }
0xb7: {  	[sflag:s18] =	ssyncset.done $0x0  }
0xb8: {  	s10 =	simm.s32 $0x9A80;
	[sflag:s18] =	ssyncadd.s32 $0xFFFFE000  }
0xb9: {  	[spmem:s3] =	stream.indirect.scatter.add.f32 [tilespmem:s24], [sflag:$0x9], $0x40, s10, s20, $0xb8;
	[tilespmem:$0x1FD00] =	vst v63  }
0xba: {  	_ =	swait.ge [sflag:s19], $0x2000  }
0xbb: {  	[sflag:s19] =	ssyncset.done $0x0  }
0xbc: {  	s9 =	simm.s32 $0x9B00;
	[sflag:s19] =	ssyncadd.s32 $0xFFFFE000  }
0xbd: {  	[spmem:s3] =	stream.indirect.scatter.add.f32 [tilespmem:s26], [sflag:$0xA], $0x40, s9, s20, $0xb8;
	[tilespmem:$0x1FD00] =	vst v63  }
0xbe: {  	_ =	swait.ge [sflag:s17], $0x2000  }
0xbf: {  	[sflag:s17] =	ssyncset.done $0x0  }
0xc0: {  	s10 =	simm.s32 $0x9B80;
	[sflag:s17] =	ssyncadd.s32 $0xFFFFE000  }
0xc1: {  	[spmem:s3] =	stream.indirect.scatter.add.f32 [tilespmem:s29], [sflag:$0xB], $0x40, s10, s20, $0xb8;
	[tilespmem:$0x1FD00] =	vst v63  }
0xc2: {  	_ =	swait.ge [sflag:s11], $0x2000  }
0xc3: {  	[sflag:s11] =	ssyncset.done $0x0  }
0xc4: {  	s9 =	simm.s32 $0x9C00;
	[sflag:s11] =	ssyncadd.s32 $0xFFFFE000  }
0xc5: {  	[spmem:s3] =	stream.indirect.scatter.add.f32 [tilespmem:s31], [sflag:$0xC], $0x40, s9, s20, $0xb8;
	[tilespmem:$0x1FD00] =	vst v63  }
0xc6: {  	_ =	swait.ge [sflag:s23], $0x2000  }
0xc7: {  	[sflag:s23] =	ssyncset.done $0x0  }
0xc8: {  	[sflag:s23] =	ssyncadd.s32 $0xFFFFE000  }
0xc9: {  	_ =	swait.ge [sflag:s25], $0x2000  }
0xca: {  	[sflag:s25] =	ssyncset.done $0x0  }
0xcb: {  	[sflag:s25] =	ssyncadd.s32 $0xFFFFE000  }
0xcc: {  	_ =	swait.ge [sflag:s28], $0x2000  }
0xcd: {  	[sflag:s28] =	ssyncset.done $0x0  }
0xce: {  	[sflag:s28] =	ssyncadd.s32 $0xFFFFE000  }
0xcf: {  	_ =	swait.ge [sflag:s30], $0x2000  }
0xd0: {  	[sflag:s30] =	ssyncset.done $0x0  }
0xd1: {  	[sflag:s30] =	ssyncadd.s32 $0xFFFFE000  }
0xd2: {  	_ =	swait.ge [sflag:s12], $0x2000  }
0xd3: {  	[sflag:s12] =	ssyncset.done $0x0  }
0xd4: {  	[sflag:s12] =	ssyncadd.s32 $0xFFFFE000  }
0xd5: {  	_ =	swait.ge [sflag:s5], $0x2000  }
0xd6: {  	s8 =	simm.s32 @!p4 $0x80;
	[sflag:s5] =	ssyncset.done $0x0  }
0xd7: {  	s10 =	simm.s32 @!p4 $0x9D00;
	s9 =	simm.s32 @!p4 $0x4E00;
	[sflag:s5] =	ssyncadd.s32 $0xFFFFE000  }
0xd8: {  	[tilespmem:s10], [sflag:$0x1] =	stream.indirect.gather @!p4 [hbm4b:s1+s8], $0x40, s9, s8, $0xb8;
	[tilespmem:$0x1FD00] =	vst v63  }
0xd9: {  	s9 =	simm.s32 @!p4 $0x1  }
0xda: {  	_ =	swait.ge @!p4 [sflag:s9], $0x2000  }
0xdb: {  	[sflag:s9] =	ssyncset.done @!p4 $0x0  }
0xdc: {  	[sflag:s9] =	ssyncadd.s32 @!p4 $0xFFFFE000;
	s9 =	simm.s32 @!p4 $0x9C80  }
0xdd: {  	[spmem:s3] =	stream.indirect.scatter.add.f32 @!p4 [tilespmem:s10], [sflag:$0x7], $0x40, s9, s8, $0xb8;
	[tilespmem:$0x1FD00] =	vst v63  }
0xde: {  	s8 =	simm.s32 @!p4 $0x7  }
0xdf: {  	_ =	swait.ge @!p4 [sflag:s8], $0x2000  }
0xe0: {  	s7 =	sadd.s32 $0x1, s7;
	[sflag:s8] =	ssyncset.done @!p4 $0x0  }
0xe1: {  	p5 =	sne.s32 s7, s14;
	[sflag:s8] =	ssyncadd.s32 @!p4 $0xFFFFE000  }
.Ltmp4:
0xe2: {  	s10 =	simm.s32 $0x10;
	[bflag:$0x0] =	sbarrier.arrive $0xFFFF;
	(pc) =	sbr.rel @p5 .LBB2_1-.Ltmp4, $4  }
0xe3: {  	[hbm:s13@s10], [sflag:s6] =	dma.strided [spmem:s15@s25], $0x1400, s0, $0x8   }
0xe4: {  	_ =	swait.ge [sflag:s16], $0x1400  }
0xe5: {  	[sflag:s16] =	ssyncset.done $0x0  }
0xe6: {  	[sflag:s16] =	ssyncadd.s32 $0xFFFFEC00  }
0xe7: {  	_ =	sfence.sel $0x180000  }
0xe8: {  	[bflag:$0x0] =	sbarrier.arrive $0xFFFF  }
0xe9: {  	_ =	strace $0x90000047  }
0xea: {  	s0 =	stileid.u32;
	[bflag:$0x2] =	sbarrier.arrive $0xFFFF  }
0xeb: {  	p0 =	sne.s32 s0, $0x0;
	s0 =	rddreg [dreg:$0x4]  }
0xec: {  	s0 =	sadd.s32 @!p0 $0x100000, s0  }
0xed: {  	[sflag:s0] =	ssyncadd.tile.s32 @!p0 $0x1;
	_ =	shalt  }
.Lfunc_end2:
_tile_overlayer_lowered:
.L_overlay_start_2:
0xee: {  	(tag) =	ssettag $0x2  }
0xef: {  	s0 =	rddreg [dreg:$0x0];
	s2 =	stileid.u32  }
0xf0: {  	s1 =	rddreg [dreg:$0x1];
	p0 =	sne.s32 s2, $0x0  }
0xf1: {  	s3 =	rddreg [dreg:$0x2];
	[bflag:$0x3] =	sbarrier.arrive $0xFFFF;
	s2 =	simm.s32 @!p0 $0x1C0D  }
0xf2: {  	[timem:s3], [sflag:s2] =	dma.local @!p0 [hbm:s0], s1  }
0xf3: {  	s0 =	simm.s32 @!p0 $0xD  }
0xf4: {  	_ =	swait.ge @!p0 [sflag:s0], s1  }
0xf5: {  	s1 =	ssub.s32 @!p0 $0x0, s1;
	[sflag:s0] =	ssyncset.done @!p0 $0x0  }
0xf6: {  	[sflag:s0] =	ssyncadd.s32 @!p0 s1  }
0xf7: {  	[bflag:$0x3] =	sbarrier.arrive $0xFFFF  }
0xf8: {  	_ =	shalt  }

</sc_bundles>
